<compile_context>
chip_gen: v7x
topology: tpu7x:2x2x1
jax: 0.10.2.dev20260603
libtpu: 0.0.44.dev20260713+nightly
codegen_flags: <defaults>
</compile_context>

<pallas_src>
import functools

import jax
import jax.numpy as jnp
from jax import lax
from jax.experimental import pallas as pl
from jax.experimental.pallas import tpu as pltpu
from jax.experimental.pallas import tpu_sc as plsc

N_TOTAL = 16777216
N_BINS = 15
NC, NS, L = 2, 16, 16
NW = NC * NS
PER_W = N_TOTAL // NW
CH = 8192
NCH = PER_W // CH
NBUF = 3


def _sc_body(conf_hbm, pred_hbm, lab_hbm, out_hbm,
             conf0, pred0, lab0, conf1, pred1, lab1, conf2, pred2, lab2,
             tabca, tabf, red, sem0, sem1, sem2):
    wid = lax.axis_index("s") * NC + lax.axis_index("c")
    base = wid * PER_W

    zero = jnp.zeros((L,), jnp.float32)
    zero_i = jnp.zeros((L,), jnp.int32)
    for r in range(L):
        tabca[pl.ds(r * L, L)] = zero_i
        tabf[pl.ds(r * L, L)] = zero

    lane = lax.iota(jnp.int32, L)
    one_i = jnp.full((L,), 1, jnp.int32)
    one_acc = jnp.full((L,), 65537, jnp.int32)

    bufs = ((conf0, pred0, lab0, sem0), (conf1, pred1, lab1, sem1),
            (conf2, pred2, lab2, sem2))

    def start(c, b):
        off = base + c * CH
        cb, pb, lb, sem = bufs[b]
        pltpu.async_copy(conf_hbm.at[pl.ds(off, CH)], cb, sem)
        pltpu.async_copy(pred_hbm.at[pl.ds(off, CH)], pb, sem)
        pltpu.async_copy(lab_hbm.at[pl.ds(off, CH)], lb, sem)

    def wait(b):
        cb, pb, lb, sem = bufs[b]
        pltpu.make_async_copy(conf_hbm.at[pl.ds(0, CH)], cb, sem).wait()
        pltpu.make_async_copy(pred_hbm.at[pl.ds(0, CH)], pb, sem).wait()
        pltpu.make_async_copy(lab_hbm.at[pl.ds(0, CH)], lb, sem).wait()

    def process(b):
        cb, pb, lb, _ = bufs[b]

        @plsc.parallel_loop(0, CH, L, unroll=16)
        def body(s):
            c = cb[pl.ds(s, L)]
            p = pb[pl.ds(s, L)]
            lbl = lb[pl.ds(s, L)]
            addr = (c * 15.0).astype(jnp.int32) * L + lane
            ca = jnp.where(p == lbl, one_acc, one_i)
            plsc.addupdate_scatter(tabca, [addr], ca)
            plsc.addupdate_scatter(tabf, [addr], c)

    for c in range(NBUF - 1):
        start(c, c)

    def outer(k, carry):
        c0 = k * NBUF
        for j in range(NBUF):
            c = c0 + j
            b = j
            wait(b)

            @pl.when(c + NBUF - 1 < NCH)
            def _():
                start(c + NBUF - 1, (b + NBUF - 1) % NBUF)

            process(b)
        return carry

    lax.fori_loop(0, NCH // NBUF, outer, 0)
    for c in range((NCH // NBUF) * NBUF, NCH):
        b = c % NBUF
        wait(b)
        process(b)

    cnt_v = jnp.zeros((L,), jnp.int32)
    acc_v = jnp.zeros((L,), jnp.int32)
    conf_v = jnp.zeros((L,), jnp.float32)
    for k in range(L):
        ca = plsc.load_gather(tabca, [lane * L + k])
        cnt_v = cnt_v + (ca & 0xFFFF)
        acc_v = acc_v + lax.shift_right_logical(ca, 16)
        conf_v = conf_v + plsc.load_gather(tabf, [lane * L + k])
    red[0] = cnt_v.astype(jnp.float32)
    red[1] = conf_v
    red[2] = acc_v.astype(jnp.float32)
    pltpu.sync_copy(red, out_hbm.at[wid])


_sc_hist = functools.partial(
    pl.kernel,
    mesh=plsc.VectorSubcoreMesh(
        core_axis_name="c", subcore_axis_name="s",
        num_cores=NC, num_subcores=NS),
    out_type=jax.ShapeDtypeStruct((NW, 3, L), jnp.float32),
    compiler_params=pltpu.CompilerParams(needs_layout_passes=False),
    scratch_types=(
        [pltpu.VMEM((CH,), jnp.float32),
         pltpu.VMEM((CH,), jnp.int32),
         pltpu.VMEM((CH,), jnp.int32)] * NBUF
        + [pltpu.VMEM((L * L,), jnp.int32),
           pltpu.VMEM((L * L,), jnp.float32)]
        + [pltpu.VMEM((3, L), jnp.float32)]
        + [pltpu.SemaphoreType.DMA] * NBUF
    ),
)(_sc_body)


def _fin_body(p_ref, o_ref):
    tot = jnp.sum(p_ref[...], axis=0)
    cnt = tot[0:1]
    sconf = tot[1:2]
    sacc = tot[2:3]
    denom = jnp.maximum(cnt, 1.0)
    contrib = jnp.abs(sconf / denom - sacc / denom) * (cnt / N_TOTAL)
    contrib = jnp.where(cnt > 0, contrib, 0.0)
    o_ref[0] = jnp.sum(contrib)


_finalize = pl.pallas_call(
    _fin_body,
    out_shape=jax.ShapeDtypeStruct((1,), jnp.float32),
    out_specs=pl.BlockSpec(memory_space=pltpu.SMEM),
)


def kernel(confidences, predictions, labels, title):
    return _finalize(_sc_hist(confidences, predictions, labels))

# --- scband reference (transcript-rebuilt; emitter-appended) ---
"""Pipeline reference for scband-eceloss-39642548142508 (READ-ONLY COPY).

The authoritative reference and input builder live on the scoring server;
editing this copy changes nothing except your own understanding.
"""

import jax, jax.numpy as jnp
import numpy as np

N_BINS = 15
N = 16777216
NUM_CLASSES = 1000

def setup_inputs(seed: int = 0) -> dict:
    key = jax.random.key(seed)
    k1, k2, k3 = jax.random.split(key, 3)
    confidences = jax.random.uniform(k1, (N,), dtype=jnp.float32)
    predictions = jax.random.randint(k2, (N,), 0, NUM_CLASSES, dtype=jnp.int64 if jax.config.jax_enable_x64 else jnp.int32).astype(jnp.int32)
    labels = jax.random.randint(k3, (N,), 0, NUM_CLASSES, dtype=jnp.int64 if jax.config.jax_enable_x64 else jnp.int32).astype(jnp.int32)
    return {"confidences": confidences, "predictions": predictions, "labels": labels, "title": 0}

def reference(confidences, predictions, labels, title):
    # Faithful ECE computation (plotting side-effects omitted; they do not
    # affect the returned tensor).
    bin_boundaries = jnp.linspace(0.0, 1.0, N_BINS + 1)
    bin_lowers = bin_boundaries[:-1]
    bin_uppers = bin_boundaries[1:]
    accuracies = (predictions == labels).astype(jnp.float32)
    n = confidences.shape[0]
    ece = jnp.zeros((1,), dtype=confidences.dtype)
    for i in range(N_BINS):
        in_bin = (confidences > bin_lowers[i]) & (confidences <= bin_uppers[i])
        in_bin_f = in_bin.astype(jnp.float32)
        cnt = jnp.sum(in_bin_f)
        prop_in_bin = cnt / n
        denom = jnp.maximum(cnt, 1.0)
        avg_confidence_in_bin = jnp.sum(jnp.where(in_bin, confidences, 0.0)) / denom
        accuracy_in_bin = jnp.sum(jnp.where(in_bin, accuracies, 0.0)) / denom
        contrib = jnp.abs(avg_confidence_in_bin - accuracy_in_bin) * prop_in_bin
        ece = ece + jnp.where(cnt > 0, contrib, 0.0)
    return ece

if __name__ == "__main__":
    import jax
    _d = setup_inputs()
    print(jax.jit(kernel)(*tuple(_d.values())))

</pallas_src>

<mosaic_0001>
#map = affine_map<(d0, d1) -> (0)>
#map1 = affine_map<(d0, d1) -> (0, 0, 0)>
module attributes {stable_mosaic.version = 14 : i64} {
  func.func @_sc_body(%arg0: i32, %arg1: i32, %arg2: memref<16777216xf32, #tpu.memory_space<hbm>>, %arg3: memref<16777216xi32, #tpu.memory_space<hbm>>, %arg4: memref<16777216xi32, #tpu.memory_space<hbm>>, %arg5: memref<32x3x16xf32, #tpu.memory_space<hbm>>, %arg6: memref<8192xf32, #tpu.memory_space<vmem>>, %arg7: memref<8192xi32, #tpu.memory_space<vmem>>, %arg8: memref<8192xi32, #tpu.memory_space<vmem>>, %arg9: memref<8192xf32, #tpu.memory_space<vmem>>, %arg10: memref<8192xi32, #tpu.memory_space<vmem>>, %arg11: memref<8192xi32, #tpu.memory_space<vmem>>, %arg12: memref<8192xf32, #tpu.memory_space<vmem>>, %arg13: memref<8192xi32, #tpu.memory_space<vmem>>, %arg14: memref<8192xi32, #tpu.memory_space<vmem>>, %arg15: memref<256xi32, #tpu.memory_space<vmem>>, %arg16: memref<256xf32, #tpu.memory_space<vmem>>, %arg17: memref<3x16xf32, #tpu.memory_space<vmem>>, %arg18: memref<!tpu.dma_semaphore, #tpu.memory_space<semaphore_mem>>, %arg19: memref<!tpu.dma_semaphore, #tpu.memory_space<semaphore_mem>>, %arg20: memref<!tpu.dma_semaphore, #tpu.memory_space<semaphore_mem>>) attributes {dimension_semantics = [#tpu.dimension_semantics<core_parallel>, #tpu.dimension_semantics<subcore_parallel>], iteration_bounds = array<i64: 2, 16>, scalar_prefetch = 0 : i64, scratch_operands = 15 : i64, tpu.core_type = #tpu.core_type<sc_vector_subcore>, window_params = [{transform_indices = #map}, {transform_indices = #map}, {transform_indices = #map}, {transform_indices = #map1}]} {
    %mul3A = arith.constant 2 : i32
    %mul3A_0 = arith.muli %arg1, %mul3A : i32
    %add3A = arith.addi %mul3A_0, %arg0 : i32
    %mul3A_1 = arith.constant 524288 : i32
    %mul3A_2 = arith.muli %add3A, %mul3A_1 : i32
    %broadcast_in_dim3A = arith.constant 0.000000e+00 : f32
    %broadcast_in_dim3A_3 = vector.broadcast %broadcast_in_dim3A : f32 to vector<16xf32>
    %broadcast_in_dim3A_4 = arith.constant 0 : i32
    %broadcast_in_dim3A_5 = vector.broadcast %broadcast_in_dim3A_4 : i32 to vector<16xi32>
    %swap3A = arith.constant 0 : index
    %swap3A_6 = tpu.vector_load %arg15[%swap3A] {strides = array<i32>} : memref<256xi32, #tpu.memory_space<vmem>>, vector<16xi32>,
    tpu.vector_store %arg15[%swap3A], %broadcast_in_dim3A_5 {strides = array<i32>} : memref<256xi32, #tpu.memory_space<vmem>>, vector<16xi32>,
    %swap3A_7 = arith.constant 0 : index
    %swap3A_8 = tpu.vector_load %arg16[%swap3A_7] {strides = array<i32>} : memref<256xf32, #tpu.memory_space<vmem>>, vector<16xf32>,
    tpu.vector_store %arg16[%swap3A_7], %broadcast_in_dim3A_3 {strides = array<i32>} : memref<256xf32, #tpu.memory_space<vmem>>, vector<16xf32>,
    %swap3A_9 = arith.constant 16 : index
    %swap3A_10 = tpu.vector_load %arg15[%swap3A_9] {strides = array<i32>} : memref<256xi32, #tpu.memory_space<vmem>>, vector<16xi32>,
    tpu.vector_store %arg15[%swap3A_9], %broadcast_in_dim3A_5 {strides = array<i32>} : memref<256xi32, #tpu.memory_space<vmem>>, vector<16xi32>,
    %swap3A_11 = arith.constant 16 : index
    %swap3A_12 = tpu.vector_load %arg16[%swap3A_11] {strides = array<i32>} : memref<256xf32, #tpu.memory_space<vmem>>, vector<16xf32>,
    tpu.vector_store %arg16[%swap3A_11], %broadcast_in_dim3A_3 {strides = array<i32>} : memref<256xf32, #tpu.memory_space<vmem>>, vector<16xf32>,
    %swap3A_13 = arith.constant 32 : index
    %swap3A_14 = tpu.vector_load %arg15[%swap3A_13] {strides = array<i32>} : memref<256xi32, #tpu.memory_space<vmem>>, vector<16xi32>,
    tpu.vector_store %arg15[%swap3A_13], %broadcast_in_dim3A_5 {strides = array<i32>} : memref<256xi32, #tpu.memory_space<vmem>>, vector<16xi32>,
    %swap3A_15 = arith.constant 32 : index
    %swap3A_16 = tpu.vector_load %arg16[%swap3A_15] {strides = array<i32>} : memref<256xf32, #tpu.memory_space<vmem>>, vector<16xf32>,
    tpu.vector_store %arg16[%swap3A_15], %broadcast_in_dim3A_3 {strides = array<i32>} : memref<256xf32, #tpu.memory_space<vmem>>, vector<16xf32>,
    %swap3A_17 = arith.constant 48 : index
    %swap3A_18 = tpu.vector_load %arg15[%swap3A_17] {strides = array<i32>} : memref<256xi32, #tpu.memory_space<vmem>>, vector<16xi32>,
    tpu.vector_store %arg15[%swap3A_17], %broadcast_in_dim3A_5 {strides = array<i32>} : memref<256xi32, #tpu.memory_space<vmem>>, vector<16xi32>,
    %swap3A_19 = arith.constant 48 : index
    %swap3A_20 = tpu.vector_load %arg16[%swap3A_19] {strides = array<i32>} : memref<256xf32, #tpu.memory_space<vmem>>, vector<16xf32>,
    tpu.vector_store %arg16[%swap3A_19], %broadcast_in_dim3A_3 {strides = array<i32>} : memref<256xf32, #tpu.memory_space<vmem>>, vector<16xf32>,
    %swap3A_21 = arith.constant 64 : index
    %swap3A_22 = tpu.vector_load %arg15[%swap3A_21] {strides = array<i32>} : memref<256xi32, #tpu.memory_space<vmem>>, vector<16xi32>,
    tpu.vector_store %arg15[%swap3A_21], %broadcast_in_dim3A_5 {strides = array<i32>} : memref<256xi32, #tpu.memory_space<vmem>>, vector<16xi32>,
    %swap3A_23 = arith.constant 64 : index
    %swap3A_24 = tpu.vector_load %arg16[%swap3A_23] {strides = array<i32>} : memref<256xf32, #tpu.memory_space<vmem>>, vector<16xf32>,
    tpu.vector_store %arg16[%swap3A_23], %broadcast_in_dim3A_3 {strides = array<i32>} : memref<256xf32, #tpu.memory_space<vmem>>, vector<16xf32>,
    %swap3A_25 = arith.constant 80 : index
    %swap3A_26 = tpu.vector_load %arg15[%swap3A_25] {strides = array<i32>} : memref<256xi32, #tpu.memory_space<vmem>>, vector<16xi32>,
    tpu.vector_store %arg15[%swap3A_25], %broadcast_in_dim3A_5 {strides = array<i32>} : memref<256xi32, #tpu.memory_space<vmem>>, vector<16xi32>,
    %swap3A_27 = arith.constant 80 : index
    %swap3A_28 = tpu.vector_load %arg16[%swap3A_27] {strides = array<i32>} : memref<256xf32, #tpu.memory_space<vmem>>, vector<16xf32>,
    tpu.vector_store %arg16[%swap3A_27], %broadcast_in_dim3A_3 {strides = array<i32>} : memref<256xf32, #tpu.memory_space<vmem>>, vector<16xf32>,
    %swap3A_29 = arith.constant 96 : index
    %swap3A_30 = tpu.vector_load %arg15[%swap3A_29] {strides = array<i32>} : memref<256xi32, #tpu.memory_space<vmem>>, vector<16xi32>,
    tpu.vector_store %arg15[%swap3A_29], %broadcast_in_dim3A_5 {strides = array<i32>} : memref<256xi32, #tpu.memory_space<vmem>>, vector<16xi32>,
    %swap3A_31 = arith.constant 96 : index
    %swap3A_32 = tpu.vector_load %arg16[%swap3A_31] {strides = array<i32>} : memref<256xf32, #tpu.memory_space<vmem>>, vector<16xf32>,
    tpu.vector_store %arg16[%swap3A_31], %broadcast_in_dim3A_3 {strides = array<i32>} : memref<256xf32, #tpu.memory_space<vmem>>, vector<16xf32>,
    %swap3A_33 = arith.constant 112 : index
    %swap3A_34 = tpu.vector_load %arg15[%swap3A_33] {strides = array<i32>} : memref<256xi32, #tpu.memory_space<vmem>>, vector<16xi32>,
    tpu.vector_store %arg15[%swap3A_33], %broadcast_in_dim3A_5 {strides = array<i32>} : memref<256xi32, #tpu.memory_space<vmem>>, vector<16xi32>,
    %swap3A_35 = arith.constant 112 : index
    %swap3A_36 = tpu.vector_load %arg16[%swap3A_35] {strides = array<i32>} : memref<256xf32, #tpu.memory_space<vmem>>, vector<16xf32>,
    tpu.vector_store %arg16[%swap3A_35], %broadcast_in_dim3A_3 {strides = array<i32>} : memref<256xf32, #tpu.memory_space<vmem>>, vector<16xf32>,
    %swap3A_37 = arith.constant 128 : index
    %swap3A_38 = tpu.vector_load %arg15[%swap3A_37] {strides = array<i32>} : memref<256xi32, #tpu.memory_space<vmem>>, vector<16xi32>,
    tpu.vector_store %arg15[%swap3A_37], %broadcast_in_dim3A_5 {strides = array<i32>} : memref<256xi32, #tpu.memory_space<vmem>>, vector<16xi32>,
    %swap3A_39 = arith.constant 128 : index
    %swap3A_40 = tpu.vector_load %arg16[%swap3A_39] {strides = array<i32>} : memref<256xf32, #tpu.memory_space<vmem>>, vector<16xf32>,
    tpu.vector_store %arg16[%swap3A_39], %broadcast_in_dim3A_3 {strides = array<i32>} : memref<256xf32, #tpu.memory_space<vmem>>, vector<16xf32>,
    %swap3A_41 = arith.constant 144 : index
    %swap3A_42 = tpu.vector_load %arg15[%swap3A_41] {strides = array<i32>} : memref<256xi32, #tpu.memory_space<vmem>>, vector<16xi32>,
    tpu.vector_store %arg15[%swap3A_41], %broadcast_in_dim3A_5 {strides = array<i32>} : memref<256xi32, #tpu.memory_space<vmem>>, vector<16xi32>,
    %swap3A_43 = arith.constant 144 : index
    %swap3A_44 = tpu.vector_load %arg16[%swap3A_43] {strides = array<i32>} : memref<256xf32, #tpu.memory_space<vmem>>, vector<16xf32>,
    tpu.vector_store %arg16[%swap3A_43], %broadcast_in_dim3A_3 {strides = array<i32>} : memref<256xf32, #tpu.memory_space<vmem>>, vector<16xf32>,
    %swap3A_45 = arith.constant 160 : index
    %swap3A_46 = tpu.vector_load %arg15[%swap3A_45] {strides = array<i32>} : memref<256xi32, #tpu.memory_space<vmem>>, vector<16xi32>,
    tpu.vector_store %arg15[%swap3A_45], %broadcast_in_dim3A_5 {strides = array<i32>} : memref<256xi32, #tpu.memory_space<vmem>>, vector<16xi32>,
    %swap3A_47 = arith.constant 160 : index
    %swap3A_48 = tpu.vector_load %arg16[%swap3A_47] {strides = array<i32>} : memref<256xf32, #tpu.memory_space<vmem>>, vector<16xf32>,
    tpu.vector_store %arg16[%swap3A_47], %broadcast_in_dim3A_3 {strides = array<i32>} : memref<256xf32, #tpu.memory_space<vmem>>, vector<16xf32>,
    %swap3A_49 = arith.constant 176 : index
    %swap3A_50 = tpu.vector_load %arg15[%swap3A_49] {strides = array<i32>} : memref<256xi32, #tpu.memory_space<vmem>>, vector<16xi32>,
    tpu.vector_store %arg15[%swap3A_49], %broadcast_in_dim3A_5 {strides = array<i32>} : memref<256xi32, #tpu.memory_space<vmem>>, vector<16xi32>,
    %swap3A_51 = arith.constant 176 : index
    %swap3A_52 = tpu.vector_load %arg16[%swap3A_51] {strides = array<i32>} : memref<256xf32, #tpu.memory_space<vmem>>, vector<16xf32>,
    tpu.vector_store %arg16[%swap3A_51], %broadcast_in_dim3A_3 {strides = array<i32>} : memref<256xf32, #tpu.memory_space<vmem>>, vector<16xf32>,
    %swap3A_53 = arith.constant 192 : index
    %swap3A_54 = tpu.vector_load %arg15[%swap3A_53] {strides = array<i32>} : memref<256xi32, #tpu.memory_space<vmem>>, vector<16xi32>,
    tpu.vector_store %arg15[%swap3A_53], %broadcast_in_dim3A_5 {strides = array<i32>} : memref<256xi32, #tpu.memory_space<vmem>>, vector<16xi32>,
    %swap3A_55 = arith.constant 192 : index
    %swap3A_56 = tpu.vector_load %arg16[%swap3A_55] {strides = array<i32>} : memref<256xf32, #tpu.memory_space<vmem>>, vector<16xf32>,
    tpu.vector_store %arg16[%swap3A_55], %broadcast_in_dim3A_3 {strides = array<i32>} : memref<256xf32, #tpu.memory_space<vmem>>, vector<16xf32>,
    %swap3A_57 = arith.constant 208 : index
    %swap3A_58 = tpu.vector_load %arg15[%swap3A_57] {strides = array<i32>} : memref<256xi32, #tpu.memory_space<vmem>>, vector<16xi32>,
    tpu.vector_store %arg15[%swap3A_57], %broadcast_in_dim3A_5 {strides = array<i32>} : memref<256xi32, #tpu.memory_space<vmem>>, vector<16xi32>,
    %swap3A_59 = arith.constant 208 : index
    %swap3A_60 = tpu.vector_load %arg16[%swap3A_59] {strides = array<i32>} : memref<256xf32, #tpu.memory_space<vmem>>, vector<16xf32>,
    tpu.vector_store %arg16[%swap3A_59], %broadcast_in_dim3A_3 {strides = array<i32>} : memref<256xf32, #tpu.memory_space<vmem>>, vector<16xf32>,
    %swap3A_61 = arith.constant 224 : index
    %swap3A_62 = tpu.vector_load %arg15[%swap3A_61] {strides = array<i32>} : memref<256xi32, #tpu.memory_space<vmem>>, vector<16xi32>,
    tpu.vector_store %arg15[%swap3A_61], %broadcast_in_dim3A_5 {strides = array<i32>} : memref<256xi32, #tpu.memory_space<vmem>>, vector<16xi32>,
    %swap3A_63 = arith.constant 224 : index
    %swap3A_64 = tpu.vector_load %arg16[%swap3A_63] {strides = array<i32>} : memref<256xf32, #tpu.memory_space<vmem>>, vector<16xf32>,
    tpu.vector_store %arg16[%swap3A_63], %broadcast_in_dim3A_3 {strides = array<i32>} : memref<256xf32, #tpu.memory_space<vmem>>, vector<16xf32>,
    %swap3A_65 = arith.constant 240 : index
    %swap3A_66 = tpu.vector_load %arg15[%swap3A_65] {strides = array<i32>} : memref<256xi32, #tpu.memory_space<vmem>>, vector<16xi32>,
    tpu.vector_store %arg15[%swap3A_65], %broadcast_in_dim3A_5 {strides = array<i32>} : memref<256xi32, #tpu.memory_space<vmem>>, vector<16xi32>,
    %swap3A_67 = arith.constant 240 : index
    %swap3A_68 = tpu.vector_load %arg16[%swap3A_67] {strides = array<i32>} : memref<256xf32, #tpu.memory_space<vmem>>, vector<16xf32>,
    tpu.vector_store %arg16[%swap3A_67], %broadcast_in_dim3A_3 {strides = array<i32>} : memref<256xf32, #tpu.memory_space<vmem>>, vector<16xf32>,
    %iota3A = tpu.iota {dimensions = array<i32: 0>} : vector<16xi32>
    %broadcast_in_dim3A_69 = arith.constant 1 : i32
    %broadcast_in_dim3A_70 = vector.broadcast %broadcast_in_dim3A_69 : i32 to vector<16xi32>
    %broadcast_in_dim3A_71 = arith.constant 65537 : i32
    %broadcast_in_dim3A_72 = vector.broadcast %broadcast_in_dim3A_71 : i32 to vector<16xi32>
    %add3A_73 = arith.constant 0 : i32
    %add3A_74 = arith.addi %mul3A_2, %add3A_73 : i32
    %dma_start3A = tpu.memref_slice %arg2[%add3A_74] : memref<16777216xf32, #tpu.memory_space<hbm>> -> memref<8192xf32, #tpu.memory_space<hbm>>
    %dma_start3A_75 = tpu.memref_slice %arg2[%add3A_74] : memref<16777216xf32, #tpu.memory_space<hbm>> -> memref<8192xf32, #tpu.memory_space<hbm>>
    tpu.enqueue_dma source(%dma_start3A_75 : memref<8192xf32, #tpu.memory_space<hbm>>) target(%arg6 : memref<8192xf32, #tpu.memory_space<vmem>>) target_semaphore(%arg18 : memref<!tpu.dma_semaphore, #tpu.memory_space<semaphore_mem>>)
    %dma_start3A_76 = tpu.memref_slice %arg3[%add3A_74] : memref<16777216xi32, #tpu.memory_space<hbm>> -> memref<8192xi32, #tpu.memory_space<hbm>>
    %dma_start3A_77 = tpu.memref_slice %arg3[%add3A_74] : memref<16777216xi32, #tpu.memory_space<hbm>> -> memref<8192xi32, #tpu.memory_space<hbm>>
    tpu.enqueue_dma source(%dma_start3A_77 : memref<8192xi32, #tpu.memory_space<hbm>>) target(%arg7 : memref<8192xi32, #tpu.memory_space<vmem>>) target_semaphore(%arg18 : memref<!tpu.dma_semaphore, #tpu.memory_space<semaphore_mem>>)
    %dma_start3A_78 = tpu.memref_slice %arg4[%add3A_74] : memref<16777216xi32, #tpu.memory_space<hbm>> -> memref<8192xi32, #tpu.memory_space<hbm>>
    %dma_start3A_79 = tpu.memref_slice %arg4[%add3A_74] : memref<16777216xi32, #tpu.memory_space<hbm>> -> memref<8192xi32, #tpu.memory_space<hbm>>
    tpu.enqueue_dma source(%dma_start3A_79 : memref<8192xi32, #tpu.memory_space<hbm>>) target(%arg8 : memref<8192xi32, #tpu.memory_space<vmem>>) target_semaphore(%arg18 : memref<!tpu.dma_semaphore, #tpu.memory_space<semaphore_mem>>)
    %add3A_80 = arith.constant 8192 : i32
    %add3A_81 = arith.addi %mul3A_2, %add3A_80 : i32
    %dma_start3A_82 = tpu.memref_slice %arg2[%add3A_81] : memref<16777216xf32, #tpu.memory_space<hbm>> -> memref<8192xf32, #tpu.memory_space<hbm>>
    %dma_start3A_83 = tpu.memref_slice %arg2[%add3A_81] : memref<16777216xf32, #tpu.memory_space<hbm>> -> memref<8192xf32, #tpu.memory_space<hbm>>
    tpu.enqueue_dma source(%dma_start3A_83 : memref<8192xf32, #tpu.memory_space<hbm>>) target(%arg9 : memref<8192xf32, #tpu.memory_space<vmem>>) target_semaphore(%arg19 : memref<!tpu.dma_semaphore, #tpu.memory_space<semaphore_mem>>)
    %dma_start3A_84 = tpu.memref_slice %arg3[%add3A_81] : memref<16777216xi32, #tpu.memory_space<hbm>> -> memref<8192xi32, #tpu.memory_space<hbm>>
    %dma_start3A_85 = tpu.memref_slice %arg3[%add3A_81] : memref<16777216xi32, #tpu.memory_space<hbm>> -> memref<8192xi32, #tpu.memory_space<hbm>>
    tpu.enqueue_dma source(%dma_start3A_85 : memref<8192xi32, #tpu.memory_space<hbm>>) target(%arg10 : memref<8192xi32, #tpu.memory_space<vmem>>) target_semaphore(%arg19 : memref<!tpu.dma_semaphore, #tpu.memory_space<semaphore_mem>>)
    %dma_start3A_86 = tpu.memref_slice %arg4[%add3A_81] : memref<16777216xi32, #tpu.memory_space<hbm>> -> memref<8192xi32, #tpu.memory_space<hbm>>
    %dma_start3A_87 = tpu.memref_slice %arg4[%add3A_81] : memref<16777216xi32, #tpu.memory_space<hbm>> -> memref<8192xi32, #tpu.memory_space<hbm>>
    tpu.enqueue_dma source(%dma_start3A_87 : memref<8192xi32, #tpu.memory_space<hbm>>) target(%arg11 : memref<8192xi32, #tpu.memory_space<vmem>>) target_semaphore(%arg19 : memref<!tpu.dma_semaphore, #tpu.memory_space<semaphore_mem>>)
    %scan3A = arith.constant 0 : i32
    %scan3A_88 = arith.constant 0 : i32
    %scan3A_89 = arith.constant 21 : i32
    %scan3A_90 = arith.addi %scan3A_88, %scan3A_89 : i32
    %scan3A_91 = arith.constant 1 : i32
    scf.for %scan3A_490 = %scan3A_88 to %scan3A_90 step %scan3A_91  : i32 {
      %mul3A_491 = arith.constant 3 : i32
      %mul3A_492 = arith.muli %scan3A_490, %mul3A_491 : i32
      %add3A_493 = arith.constant 0 : i32
      %add3A_494 = arith.addi %mul3A_492, %add3A_493 : i32
      %dma_wait3A_495 = arith.constant 0 : i32
      %dma_wait3A_496 = tpu.memref_slice %arg2[%dma_wait3A_495] : memref<16777216xf32, #tpu.memory_space<hbm>> -> memref<8192xf32, #tpu.memory_space<hbm>>
      %dma_wait3A_497 = arith.constant 0 : i32
      %dma_wait3A_498 = tpu.memref_slice %arg2[%dma_wait3A_497] : memref<16777216xf32, #tpu.memory_space<hbm>> -> memref<8192xf32, #tpu.memory_space<hbm>>
      tpu.wait_dma2 semaphore(%arg18 : memref<!tpu.dma_semaphore, #tpu.memory_space<semaphore_mem>>) src(%dma_wait3A_498 : memref<8192xf32, #tpu.memory_space<hbm>>) dst(%arg6 : memref<8192xf32, #tpu.memory_space<vmem>>)
      %dma_wait3A_499 = arith.constant 0 : i32
      %dma_wait3A_500 = tpu.memref_slice %arg3[%dma_wait3A_499] : memref<16777216xi32, #tpu.memory_space<hbm>> -> memref<8192xi32, #tpu.memory_space<hbm>>
      %dma_wait3A_501 = arith.constant 0 : i32
      %dma_wait3A_502 = tpu.memref_slice %arg3[%dma_wait3A_501] : memref<16777216xi32, #tpu.memory_space<hbm>> -> memref<8192xi32, #tpu.memory_space<hbm>>
      tpu.wait_dma2 semaphore(%arg18 : memref<!tpu.dma_semaphore, #tpu.memory_space<semaphore_mem>>) src(%dma_wait3A_502 : memref<8192xi32, #tpu.memory_space<hbm>>) dst(%arg7 : memref<8192xi32, #tpu.memory_space<vmem>>)
      %dma_wait3A_503 = arith.constant 0 : i32
      %dma_wait3A_504 = tpu.memref_slice %arg4[%dma_wait3A_503] : memref<16777216xi32, #tpu.memory_space<hbm>> -> memref<8192xi32, #tpu.memory_space<hbm>>
      %dma_wait3A_505 = arith.constant 0 : i32
      %dma_wait3A_506 = tpu.memref_slice %arg4[%dma_wait3A_505] : memref<16777216xi32, #tpu.memory_space<hbm>> -> memref<8192xi32, #tpu.memory_space<hbm>>
      tpu.wait_dma2 semaphore(%arg18 : memref<!tpu.dma_semaphore, #tpu.memory_space<semaphore_mem>>) src(%dma_wait3A_506 : memref<8192xi32, #tpu.memory_space<hbm>>) dst(%arg8 : memref<8192xi32, #tpu.memory_space<vmem>>)
      %add3A_507 = arith.constant 3 : i32
      %add3A_508 = arith.addi %add3A_494, %add3A_507 : i32
      %sub3A = arith.constant 1 : i32
      %sub3A_509 = arith.subi %add3A_508, %sub3A : i32
      %lt3A = arith.constant 64 : i32
      %lt3A_510 = arith.cmpi slt, %sub3A_509, %lt3A : i32
      %convert_element_type3A_511 = arith.extui %lt3A_510 : i1 to i32
      %cond3A = arith.constant 0 : i32
      %cond3A_512 = arith.cmpi ne, %convert_element_type3A_511, %cond3A : i32
      scf.if %cond3A_512 {
        %add3A_568 = arith.constant 3 : i32
        %add3A_569 = arith.addi %add3A_494, %add3A_568 : i32
        %sub3A_570 = arith.constant 1 : i32
        %sub3A_571 = arith.subi %add3A_569, %sub3A_570 : i32
        %mul3A_572 = arith.constant 8192 : i32
        %mul3A_573 = arith.muli %sub3A_571, %mul3A_572 : i32
        %add3A_574 = arith.addi %mul3A_2, %mul3A_573 : i32
        %dma_start3A_575 = tpu.memref_slice %arg2[%add3A_574] : memref<16777216xf32, #tpu.memory_space<hbm>> -> memref<8192xf32, #tpu.memory_space<hbm>>
        %dma_start3A_576 = tpu.memref_slice %arg2[%add3A_574] : memref<16777216xf32, #tpu.memory_space<hbm>> -> memref<8192xf32, #tpu.memory_space<hbm>>
        tpu.enqueue_dma source(%dma_start3A_576 : memref<8192xf32, #tpu.memory_space<hbm>>) target(%arg12 : memref<8192xf32, #tpu.memory_space<vmem>>) target_semaphore(%arg20 : memref<!tpu.dma_semaphore, #tpu.memory_space<semaphore_mem>>)
        %dma_start3A_577 = tpu.memref_slice %arg3[%add3A_574] : memref<16777216xi32, #tpu.memory_space<hbm>> -> memref<8192xi32, #tpu.memory_space<hbm>>
        %dma_start3A_578 = tpu.memref_slice %arg3[%add3A_574] : memref<16777216xi32, #tpu.memory_space<hbm>> -> memref<8192xi32, #tpu.memory_space<hbm>>
        tpu.enqueue_dma source(%dma_start3A_578 : memref<8192xi32, #tpu.memory_space<hbm>>) target(%arg13 : memref<8192xi32, #tpu.memory_space<vmem>>) target_semaphore(%arg20 : memref<!tpu.dma_semaphore, #tpu.memory_space<semaphore_mem>>)
        %dma_start3A_579 = tpu.memref_slice %arg4[%add3A_574] : memref<16777216xi32, #tpu.memory_space<hbm>> -> memref<8192xi32, #tpu.memory_space<hbm>>
        %dma_start3A_580 = tpu.memref_slice %arg4[%add3A_574] : memref<16777216xi32, #tpu.memory_space<hbm>> -> memref<8192xi32, #tpu.memory_space<hbm>>
        tpu.enqueue_dma source(%dma_start3A_580 : memref<8192xi32, #tpu.memory_space<hbm>>) target(%arg14 : memref<8192xi32, #tpu.memory_space<vmem>>) target_semaphore(%arg20 : memref<!tpu.dma_semaphore, #tpu.memory_space<semaphore_mem>>)
      } else {
      }
      %parallel_loop3A_513 = arith.constant 0 : i32
      %parallel_loop3A_514 = arith.constant 8192 : i32
      %parallel_loop3A_515 = arith.constant 16 : i32
      scf.for %parallel_loop3A_568 = %parallel_loop3A_513 to %parallel_loop3A_514 step %parallel_loop3A_515  : i32 {
        %parallel_loop3A_569 = arith.index_cast %parallel_loop3A_568 : i32 to index
        %parallel_loop3A_570 = tpu.vector_load %arg6[%parallel_loop3A_569] {strides = array<i32>} : memref<8192xf32, #tpu.memory_space<vmem>>, vector<16xf32>,
        %parallel_loop3A_571 = arith.index_cast %parallel_loop3A_568 : i32 to index
        %parallel_loop3A_572 = tpu.vector_load %arg7[%parallel_loop3A_571] {strides = array<i32>} : memref<8192xi32, #tpu.memory_space<vmem>>, vector<16xi32>,
        %parallel_loop3A_573 = arith.index_cast %parallel_loop3A_568 : i32 to index
        %parallel_loop3A_574 = tpu.vector_load %arg8[%parallel_loop3A_573] {strides = array<i32>} : memref<8192xi32, #tpu.memory_space<vmem>>, vector<16xi32>,
        %parallel_loop3A_575 = arith.constant 1.500000e+01 : f32
        %parallel_loop3A_576 = vector.broadcast %parallel_loop3A_575 : f32 to vector<16xf32>
        %parallel_loop3A_577 = arith.mulf %parallel_loop3A_570, %parallel_loop3A_576 : vector<16xf32>
        %parallel_loop3A_578 = arith.fptosi %parallel_loop3A_577 : vector<16xf32> to vector<16xi32>
        %parallel_loop3A_579 = arith.constant 16 : i32
        %parallel_loop3A_580 = vector.broadcast %parallel_loop3A_579 : i32 to vector<16xi32>
        %parallel_loop3A_581 = arith.muli %parallel_loop3A_578, %parallel_loop3A_580 : vector<16xi32>
        %parallel_loop3A_582 = arith.addi %parallel_loop3A_581, %iota3A : vector<16xi32>
        %parallel_loop3A_583 = arith.cmpi eq, %parallel_loop3A_572, %parallel_loop3A_574 : vector<16xi32>
        %parallel_loop3A_584 = arith.select %parallel_loop3A_583, %broadcast_in_dim3A_72, %broadcast_in_dim3A_70 : vector<16xi1>, vector<16xi32>
        tpu.vector_store_idx %arg15[%parallel_loop3A_582], %parallel_loop3A_584 {add = true} : memref<256xi32, #tpu.memory_space<vmem>>[vector<16xi32>], vector<16xi32>,
        tpu.vector_store_idx %arg16[%parallel_loop3A_582], %parallel_loop3A_570 {add = true} : memref<256xf32, #tpu.memory_space<vmem>>[vector<16xi32>], vector<16xf32>,
      } {sc.loop_unroll_factor = 16 : i64, sc.parallel_access}
      %add3A_516 = arith.constant 1 : i32
      %add3A_517 = arith.addi %mul3A_492, %add3A_516 : i32
      %dma_wait3A_518 = arith.constant 0 : i32
      %dma_wait3A_519 = tpu.memref_slice %arg2[%dma_wait3A_518] : memref<16777216xf32, #tpu.memory_space<hbm>> -> memref<8192xf32, #tpu.memory_space<hbm>>
      %dma_wait3A_520 = arith.constant 0 : i32
      %dma_wait3A_521 = tpu.memref_slice %arg2[%dma_wait3A_520] : memref<16777216xf32, #tpu.memory_space<hbm>> -> memref<8192xf32, #tpu.memory_space<hbm>>
      tpu.wait_dma2 semaphore(%arg19 : memref<!tpu.dma_semaphore, #tpu.memory_space<semaphore_mem>>) src(%dma_wait3A_521 : memref<8192xf32, #tpu.memory_space<hbm>>) dst(%arg9 : memref<8192xf32, #tpu.memory_space<vmem>>)
      %dma_wait3A_522 = arith.constant 0 : i32
      %dma_wait3A_523 = tpu.memref_slice %arg3[%dma_wait3A_522] : memref<16777216xi32, #tpu.memory_space<hbm>> -> memref<8192xi32, #tpu.memory_space<hbm>>
      %dma_wait3A_524 = arith.constant 0 : i32
      %dma_wait3A_525 = tpu.memref_slice %arg3[%dma_wait3A_524] : memref<16777216xi32, #tpu.memory_space<hbm>> -> memref<8192xi32, #tpu.memory_space<hbm>>
      tpu.wait_dma2 semaphore(%arg19 : memref<!tpu.dma_semaphore, #tpu.memory_space<semaphore_mem>>) src(%dma_wait3A_525 : memref<8192xi32, #tpu.memory_space<hbm>>) dst(%arg10 : memref<8192xi32, #tpu.memory_space<vmem>>)
      %dma_wait3A_526 = arith.constant 0 : i32
      %dma_wait3A_527 = tpu.memref_slice %arg4[%dma_wait3A_526] : memref<16777216xi32, #tpu.memory_space<hbm>> -> memref<8192xi32, #tpu.memory_space<hbm>>
      %dma_wait3A_528 = arith.constant 0 : i32
      %dma_wait3A_529 = tpu.memref_slice %arg4[%dma_wait3A_528] : memref<16777216xi32, #tpu.memory_space<hbm>> -> memref<8192xi32, #tpu.memory_space<hbm>>
      tpu.wait_dma2 semaphore(%arg19 : memref<!tpu.dma_semaphore, #tpu.memory_space<semaphore_mem>>) src(%dma_wait3A_529 : memref<8192xi32, #tpu.memory_space<hbm>>) dst(%arg11 : memref<8192xi32, #tpu.memory_space<vmem>>)
      %add3A_530 = arith.constant 3 : i32
      %add3A_531 = arith.addi %add3A_517, %add3A_530 : i32
      %sub3A_532 = arith.constant 1 : i32
      %sub3A_533 = arith.subi %add3A_531, %sub3A_532 : i32
      %lt3A_534 = arith.constant 64 : i32
      %lt3A_535 = arith.cmpi slt, %sub3A_533, %lt3A_534 : i32
      %convert_element_type3A_536 = arith.extui %lt3A_535 : i1 to i32
      %cond3A_537 = arith.constant 0 : i32
      %cond3A_538 = arith.cmpi ne, %convert_element_type3A_536, %cond3A_537 : i32
      scf.if %cond3A_538 {
        %add3A_568 = arith.constant 3 : i32
        %add3A_569 = arith.addi %add3A_517, %add3A_568 : i32
        %sub3A_570 = arith.constant 1 : i32
        %sub3A_571 = arith.subi %add3A_569, %sub3A_570 : i32
        %mul3A_572 = arith.constant 8192 : i32
        %mul3A_573 = arith.muli %sub3A_571, %mul3A_572 : i32
        %add3A_574 = arith.addi %mul3A_2, %mul3A_573 : i32
        %dma_start3A_575 = tpu.memref_slice %arg2[%add3A_574] : memref<16777216xf32, #tpu.memory_space<hbm>> -> memref<8192xf32, #tpu.memory_space<hbm>>
        %dma_start3A_576 = tpu.memref_slice %arg2[%add3A_574] : memref<16777216xf32, #tpu.memory_space<hbm>> -> memref<8192xf32, #tpu.memory_space<hbm>>
        tpu.enqueue_dma source(%dma_start3A_576 : memref<8192xf32, #tpu.memory_space<hbm>>) target(%arg6 : memref<8192xf32, #tpu.memory_space<vmem>>) target_semaphore(%arg18 : memref<!tpu.dma_semaphore, #tpu.memory_space<semaphore_mem>>)
        %dma_start3A_577 = tpu.memref_slice %arg3[%add3A_574] : memref<16777216xi32, #tpu.memory_space<hbm>> -> memref<8192xi32, #tpu.memory_space<hbm>>
        %dma_start3A_578 = tpu.memref_slice %arg3[%add3A_574] : memref<16777216xi32, #tpu.memory_space<hbm>> -> memref<8192xi32, #tpu.memory_space<hbm>>
        tpu.enqueue_dma source(%dma_start3A_578 : memref<8192xi32, #tpu.memory_space<hbm>>) target(%arg7 : memref<8192xi32, #tpu.memory_space<vmem>>) target_semaphore(%arg18 : memref<!tpu.dma_semaphore, #tpu.memory_space<semaphore_mem>>)
        %dma_start3A_579 = tpu.memref_slice %arg4[%add3A_574] : memref<16777216xi32, #tpu.memory_space<hbm>> -> memref<8192xi32, #tpu.memory_space<hbm>>
        %dma_start3A_580 = tpu.memref_slice %arg4[%add3A_574] : memref<16777216xi32, #tpu.memory_space<hbm>> -> memref<8192xi32, #tpu.memory_space<hbm>>
        tpu.enqueue_dma source(%dma_start3A_580 : memref<8192xi32, #tpu.memory_space<hbm>>) target(%arg8 : memref<8192xi32, #tpu.memory_space<vmem>>) target_semaphore(%arg18 : memref<!tpu.dma_semaphore, #tpu.memory_space<semaphore_mem>>)
      } else {
      }
      %parallel_loop3A_539 = arith.constant 0 : i32
      %parallel_loop3A_540 = arith.constant 8192 : i32
      %parallel_loop3A_541 = arith.constant 16 : i32
      scf.for %parallel_loop3A_568 = %parallel_loop3A_539 to %parallel_loop3A_540 step %parallel_loop3A_541  : i32 {
        %parallel_loop3A_569 = arith.index_cast %parallel_loop3A_568 : i32 to index
        %parallel_loop3A_570 = tpu.vector_load %arg9[%parallel_loop3A_569] {strides = array<i32>} : memref<8192xf32, #tpu.memory_space<vmem>>, vector<16xf32>,
        %parallel_loop3A_571 = arith.index_cast %parallel_loop3A_568 : i32 to index
        %parallel_loop3A_572 = tpu.vector_load %arg10[%parallel_loop3A_571] {strides = array<i32>} : memref<8192xi32, #tpu.memory_space<vmem>>, vector<16xi32>,
        %parallel_loop3A_573 = arith.index_cast %parallel_loop3A_568 : i32 to index
        %parallel_loop3A_574 = tpu.vector_load %arg11[%parallel_loop3A_573] {strides = array<i32>} : memref<8192xi32, #tpu.memory_space<vmem>>, vector<16xi32>,
        %parallel_loop3A_575 = arith.constant 1.500000e+01 : f32
        %parallel_loop3A_576 = vector.broadcast %parallel_loop3A_575 : f32 to vector<16xf32>
        %parallel_loop3A_577 = arith.mulf %parallel_loop3A_570, %parallel_loop3A_576 : vector<16xf32>
        %parallel_loop3A_578 = arith.fptosi %parallel_loop3A_577 : vector<16xf32> to vector<16xi32>
        %parallel_loop3A_579 = arith.constant 16 : i32
        %parallel_loop3A_580 = vector.broadcast %parallel_loop3A_579 : i32 to vector<16xi32>
        %parallel_loop3A_581 = arith.muli %parallel_loop3A_578, %parallel_loop3A_580 : vector<16xi32>
        %parallel_loop3A_582 = arith.addi %parallel_loop3A_581, %iota3A : vector<16xi32>
        %parallel_loop3A_583 = arith.cmpi eq, %parallel_loop3A_572, %parallel_loop3A_574 : vector<16xi32>
        %parallel_loop3A_584 = arith.select %parallel_loop3A_583, %broadcast_in_dim3A_72, %broadcast_in_dim3A_70 : vector<16xi1>, vector<16xi32>
        tpu.vector_store_idx %arg15[%parallel_loop3A_582], %parallel_loop3A_584 {add = true} : memref<256xi32, #tpu.memory_space<vmem>>[vector<16xi32>], vector<16xi32>,
        tpu.vector_store_idx %arg16[%parallel_loop3A_582], %parallel_loop3A_570 {add = true} : memref<256xf32, #tpu.memory_space<vmem>>[vector<16xi32>], vector<16xf32>,
      } {sc.loop_unroll_factor = 16 : i64, sc.parallel_access}
      %add3A_542 = arith.constant 2 : i32
      %add3A_543 = arith.addi %mul3A_492, %add3A_542 : i32
      %dma_wait3A_544 = arith.constant 0 : i32
      %dma_wait3A_545 = tpu.memref_slice %arg2[%dma_wait3A_544] : memref<16777216xf32, #tpu.memory_space<hbm>> -> memref<8192xf32, #tpu.memory_space<hbm>>
      %dma_wait3A_546 = arith.constant 0 : i32
      %dma_wait3A_547 = tpu.memref_slice %arg2[%dma_wait3A_546] : memref<16777216xf32, #tpu.memory_space<hbm>> -> memref<8192xf32, #tpu.memory_space<hbm>>
      tpu.wait_dma2 semaphore(%arg20 : memref<!tpu.dma_semaphore, #tpu.memory_space<semaphore_mem>>) src(%dma_wait3A_547 : memref<8192xf32, #tpu.memory_space<hbm>>) dst(%arg12 : memref<8192xf32, #tpu.memory_space<vmem>>)
      %dma_wait3A_548 = arith.constant 0 : i32
      %dma_wait3A_549 = tpu.memref_slice %arg3[%dma_wait3A_548] : memref<16777216xi32, #tpu.memory_space<hbm>> -> memref<8192xi32, #tpu.memory_space<hbm>>
      %dma_wait3A_550 = arith.constant 0 : i32
      %dma_wait3A_551 = tpu.memref_slice %arg3[%dma_wait3A_550] : memref<16777216xi32, #tpu.memory_space<hbm>> -> memref<8192xi32, #tpu.memory_space<hbm>>
      tpu.wait_dma2 semaphore(%arg20 : memref<!tpu.dma_semaphore, #tpu.memory_space<semaphore_mem>>) src(%dma_wait3A_551 : memref<8192xi32, #tpu.memory_space<hbm>>) dst(%arg13 : memref<8192xi32, #tpu.memory_space<vmem>>)
      %dma_wait3A_552 = arith.constant 0 : i32
      %dma_wait3A_553 = tpu.memref_slice %arg4[%dma_wait3A_552] : memref<16777216xi32, #tpu.memory_space<hbm>> -> memref<8192xi32, #tpu.memory_space<hbm>>
      %dma_wait3A_554 = arith.constant 0 : i32
      %dma_wait3A_555 = tpu.memref_slice %arg4[%dma_wait3A_554] : memref<16777216xi32, #tpu.memory_space<hbm>> -> memref<8192xi32, #tpu.memory_space<hbm>>
      tpu.wait_dma2 semaphore(%arg20 : memref<!tpu.dma_semaphore, #tpu.memory_space<semaphore_mem>>) src(%dma_wait3A_555 : memref<8192xi32, #tpu.memory_space<hbm>>) dst(%arg14 : memref<8192xi32, #tpu.memory_space<vmem>>)
      %add3A_556 = arith.constant 3 : i32
      %add3A_557 = arith.addi %add3A_543, %add3A_556 : i32
      %sub3A_558 = arith.constant 1 : i32
      %sub3A_559 = arith.subi %add3A_557, %sub3A_558 : i32
      %lt3A_560 = arith.constant 64 : i32
      %lt3A_561 = arith.cmpi slt, %sub3A_559, %lt3A_560 : i32
      %convert_element_type3A_562 = arith.extui %lt3A_561 : i1 to i32
      %cond3A_563 = arith.constant 0 : i32
      %cond3A_564 = arith.cmpi ne, %convert_element_type3A_562, %cond3A_563 : i32
      scf.if %cond3A_564 {
        %add3A_568 = arith.constant 3 : i32
        %add3A_569 = arith.addi %add3A_543, %add3A_568 : i32
        %sub3A_570 = arith.constant 1 : i32
        %sub3A_571 = arith.subi %add3A_569, %sub3A_570 : i32
        %mul3A_572 = arith.constant 8192 : i32
        %mul3A_573 = arith.muli %sub3A_571, %mul3A_572 : i32
        %add3A_574 = arith.addi %mul3A_2, %mul3A_573 : i32
        %dma_start3A_575 = tpu.memref_slice %arg2[%add3A_574] : memref<16777216xf32, #tpu.memory_space<hbm>> -> memref<8192xf32, #tpu.memory_space<hbm>>
        %dma_start3A_576 = tpu.memref_slice %arg2[%add3A_574] : memref<16777216xf32, #tpu.memory_space<hbm>> -> memref<8192xf32, #tpu.memory_space<hbm>>
        tpu.enqueue_dma source(%dma_start3A_576 : memref<8192xf32, #tpu.memory_space<hbm>>) target(%arg9 : memref<8192xf32, #tpu.memory_space<vmem>>) target_semaphore(%arg19 : memref<!tpu.dma_semaphore, #tpu.memory_space<semaphore_mem>>)
        %dma_start3A_577 = tpu.memref_slice %arg3[%add3A_574] : memref<16777216xi32, #tpu.memory_space<hbm>> -> memref<8192xi32, #tpu.memory_space<hbm>>
        %dma_start3A_578 = tpu.memref_slice %arg3[%add3A_574] : memref<16777216xi32, #tpu.memory_space<hbm>> -> memref<8192xi32, #tpu.memory_space<hbm>>
        tpu.enqueue_dma source(%dma_start3A_578 : memref<8192xi32, #tpu.memory_space<hbm>>) target(%arg10 : memref<8192xi32, #tpu.memory_space<vmem>>) target_semaphore(%arg19 : memref<!tpu.dma_semaphore, #tpu.memory_space<semaphore_mem>>)
        %dma_start3A_579 = tpu.memref_slice %arg4[%add3A_574] : memref<16777216xi32, #tpu.memory_space<hbm>> -> memref<8192xi32, #tpu.memory_space<hbm>>
        %dma_start3A_580 = tpu.memref_slice %arg4[%add3A_574] : memref<16777216xi32, #tpu.memory_space<hbm>> -> memref<8192xi32, #tpu.memory_space<hbm>>
        tpu.enqueue_dma source(%dma_start3A_580 : memref<8192xi32, #tpu.memory_space<hbm>>) target(%arg11 : memref<8192xi32, #tpu.memory_space<vmem>>) target_semaphore(%arg19 : memref<!tpu.dma_semaphore, #tpu.memory_space<semaphore_mem>>)
      } else {
      }
      %parallel_loop3A_565 = arith.constant 0 : i32
      %parallel_loop3A_566 = arith.constant 8192 : i32
      %parallel_loop3A_567 = arith.constant 16 : i32
      scf.for %parallel_loop3A_568 = %parallel_loop3A_565 to %parallel_loop3A_566 step %parallel_loop3A_567  : i32 {
        %parallel_loop3A_569 = arith.index_cast %parallel_loop3A_568 : i32 to index
        %parallel_loop3A_570 = tpu.vector_load %arg12[%parallel_loop3A_569] {strides = array<i32>} : memref<8192xf32, #tpu.memory_space<vmem>>, vector<16xf32>,
        %parallel_loop3A_571 = arith.index_cast %parallel_loop3A_568 : i32 to index
        %parallel_loop3A_572 = tpu.vector_load %arg13[%parallel_loop3A_571] {strides = array<i32>} : memref<8192xi32, #tpu.memory_space<vmem>>, vector<16xi32>,
        %parallel_loop3A_573 = arith.index_cast %parallel_loop3A_568 : i32 to index
        %parallel_loop3A_574 = tpu.vector_load %arg14[%parallel_loop3A_573] {strides = array<i32>} : memref<8192xi32, #tpu.memory_space<vmem>>, vector<16xi32>,
        %parallel_loop3A_575 = arith.constant 1.500000e+01 : f32
        %parallel_loop3A_576 = vector.broadcast %parallel_loop3A_575 : f32 to vector<16xf32>
        %parallel_loop3A_577 = arith.mulf %parallel_loop3A_570, %parallel_loop3A_576 : vector<16xf32>
        %parallel_loop3A_578 = arith.fptosi %parallel_loop3A_577 : vector<16xf32> to vector<16xi32>
        %parallel_loop3A_579 = arith.constant 16 : i32
        %parallel_loop3A_580 = vector.broadcast %parallel_loop3A_579 : i32 to vector<16xi32>
        %parallel_loop3A_581 = arith.muli %parallel_loop3A_578, %parallel_loop3A_580 : vector<16xi32>
        %parallel_loop3A_582 = arith.addi %parallel_loop3A_581, %iota3A : vector<16xi32>
        %parallel_loop3A_583 = arith.cmpi eq, %parallel_loop3A_572, %parallel_loop3A_574 : vector<16xi32>
        %parallel_loop3A_584 = arith.select %parallel_loop3A_583, %broadcast_in_dim3A_72, %broadcast_in_dim3A_70 : vector<16xi1>, vector<16xi32>
        tpu.vector_store_idx %arg15[%parallel_loop3A_582], %parallel_loop3A_584 {add = true} : memref<256xi32, #tpu.memory_space<vmem>>[vector<16xi32>], vector<16xi32>,
        tpu.vector_store_idx %arg16[%parallel_loop3A_582], %parallel_loop3A_570 {add = true} : memref<256xf32, #tpu.memory_space<vmem>>[vector<16xi32>], vector<16xf32>,
      } {sc.loop_unroll_factor = 16 : i64, sc.parallel_access}
    }
    %scan3A_92 = arith.constant 21 : i32
    %dma_wait3A = arith.constant 0 : i32
    %dma_wait3A_93 = tpu.memref_slice %arg2[%dma_wait3A] : memref<16777216xf32, #tpu.memory_space<hbm>> -> memref<8192xf32, #tpu.memory_space<hbm>>
    %dma_wait3A_94 = arith.constant 0 : i32
    %dma_wait3A_95 = tpu.memref_slice %arg2[%dma_wait3A_94] : memref<16777216xf32, #tpu.memory_space<hbm>> -> memref<8192xf32, #tpu.memory_space<hbm>>
    tpu.wait_dma2 semaphore(%arg18 : memref<!tpu.dma_semaphore, #tpu.memory_space<semaphore_mem>>) src(%dma_wait3A_95 : memref<8192xf32, #tpu.memory_space<hbm>>) dst(%arg6 : memref<8192xf32, #tpu.memory_space<vmem>>)
    %dma_wait3A_96 = arith.constant 0 : i32
    %dma_wait3A_97 = tpu.memref_slice %arg3[%dma_wait3A_96] : memref<16777216xi32, #tpu.memory_space<hbm>> -> memref<8192xi32, #tpu.memory_space<hbm>>
    %dma_wait3A_98 = arith.constant 0 : i32
    %dma_wait3A_99 = tpu.memref_slice %arg3[%dma_wait3A_98] : memref<16777216xi32, #tpu.memory_space<hbm>> -> memref<8192xi32, #tpu.memory_space<hbm>>
    tpu.wait_dma2 semaphore(%arg18 : memref<!tpu.dma_semaphore, #tpu.memory_space<semaphore_mem>>) src(%dma_wait3A_99 : memref<8192xi32, #tpu.memory_space<hbm>>) dst(%arg7 : memref<8192xi32, #tpu.memory_space<vmem>>)
    %dma_wait3A_100 = arith.constant 0 : i32
    %dma_wait3A_101 = tpu.memref_slice %arg4[%dma_wait3A_100] : memref<16777216xi32, #tpu.memory_space<hbm>> -> memref<8192xi32, #tpu.memory_space<hbm>>
    %dma_wait3A_102 = arith.constant 0 : i32
    %dma_wait3A_103 = tpu.memref_slice %arg4[%dma_wait3A_102] : memref<16777216xi32, #tpu.memory_space<hbm>> -> memref<8192xi32, #tpu.memory_space<hbm>>
    tpu.wait_dma2 semaphore(%arg18 : memref<!tpu.dma_semaphore, #tpu.memory_space<semaphore_mem>>) src(%dma_wait3A_103 : memref<8192xi32, #tpu.memory_space<hbm>>) dst(%arg8 : memref<8192xi32, #tpu.memory_space<vmem>>)
    %parallel_loop3A = arith.constant 0 : i32
    %parallel_loop3A_104 = arith.constant 8192 : i32
    %parallel_loop3A_105 = arith.constant 16 : i32
    scf.for %parallel_loop3A_490 = %parallel_loop3A to %parallel_loop3A_104 step %parallel_loop3A_105  : i32 {
      %parallel_loop3A_491 = arith.index_cast %parallel_loop3A_490 : i32 to index
      %parallel_loop3A_492 = tpu.vector_load %arg6[%parallel_loop3A_491] {strides = array<i32>} : memref<8192xf32, #tpu.memory_space<vmem>>, vector<16xf32>,
      %parallel_loop3A_493 = arith.index_cast %parallel_loop3A_490 : i32 to index
      %parallel_loop3A_494 = tpu.vector_load %arg7[%parallel_loop3A_493] {strides = array<i32>} : memref<8192xi32, #tpu.memory_space<vmem>>, vector<16xi32>,
      %parallel_loop3A_495 = arith.index_cast %parallel_loop3A_490 : i32 to index
      %parallel_loop3A_496 = tpu.vector_load %arg8[%parallel_loop3A_495] {strides = array<i32>} : memref<8192xi32, #tpu.memory_space<vmem>>, vector<16xi32>,
      %parallel_loop3A_497 = arith.constant 1.500000e+01 : f32
      %parallel_loop3A_498 = vector.broadcast %parallel_loop3A_497 : f32 to vector<16xf32>
      %parallel_loop3A_499 = arith.mulf %parallel_loop3A_492, %parallel_loop3A_498 : vector<16xf32>
      %parallel_loop3A_500 = arith.fptosi %parallel_loop3A_499 : vector<16xf32> to vector<16xi32>
      %parallel_loop3A_501 = arith.constant 16 : i32
      %parallel_loop3A_502 = vector.broadcast %parallel_loop3A_501 : i32 to vector<16xi32>
      %parallel_loop3A_503 = arith.muli %parallel_loop3A_500, %parallel_loop3A_502 : vector<16xi32>
      %parallel_loop3A_504 = arith.addi %parallel_loop3A_503, %iota3A : vector<16xi32>
      %parallel_loop3A_505 = arith.cmpi eq, %parallel_loop3A_494, %parallel_loop3A_496 : vector<16xi32>
      %parallel_loop3A_506 = arith.select %parallel_loop3A_505, %broadcast_in_dim3A_72, %broadcast_in_dim3A_70 : vector<16xi1>, vector<16xi32>
      tpu.vector_store_idx %arg15[%parallel_loop3A_504], %parallel_loop3A_506 {add = true} : memref<256xi32, #tpu.memory_space<vmem>>[vector<16xi32>], vector<16xi32>,
      tpu.vector_store_idx %arg16[%parallel_loop3A_504], %parallel_loop3A_492 {add = true} : memref<256xf32, #tpu.memory_space<vmem>>[vector<16xi32>], vector<16xf32>,
    } {sc.loop_unroll_factor = 16 : i64, sc.parallel_access}
    %broadcast_in_dim3A_106 = arith.constant 0 : i32
    %broadcast_in_dim3A_107 = vector.broadcast %broadcast_in_dim3A_106 : i32 to vector<16xi32>
    %broadcast_in_dim3A_108 = arith.constant 0 : i32
    %broadcast_in_dim3A_109 = vector.broadcast %broadcast_in_dim3A_108 : i32 to vector<16xi32>
    %broadcast_in_dim3A_110 = arith.constant 0.000000e+00 : f32
    %broadcast_in_dim3A_111 = vector.broadcast %broadcast_in_dim3A_110 : f32 to vector<16xf32>
    %mul3A_112 = arith.constant 16 : i32
    %mul3A_113 = vector.broadcast %mul3A_112 : i32 to vector<16xi32>
    %mul3A_114 = arith.muli %iota3A, %mul3A_113 : vector<16xi32>
    %add3A_115 = arith.constant 0 : i32
    %add3A_116 = vector.broadcast %add3A_115 : i32 to vector<16xi32>
    %add3A_117 = arith.addi %mul3A_114, %add3A_116 : vector<16xi32>
    %gather3A = tpu.vector_load_idx %arg15[%add3A_117] : memref<256xi32, #tpu.memory_space<vmem>>[vector<16xi32>], vector<16xi32>,
    %and3A = arith.constant 65535 : i32
    %and3A_118 = vector.broadcast %and3A : i32 to vector<16xi32>
    %and3A_119 = arith.andi %gather3A, %and3A_118 : vector<16xi32>
    %add3A_120 = arith.addi %broadcast_in_dim3A_107, %and3A_119 : vector<16xi32>
    %shift_right_logical3A = arith.constant 16 : i32
    %shift_right_logical3A_121 = vector.broadcast %shift_right_logical3A : i32 to vector<16xi32>
    %shift_right_logical3A_122 = arith.shrui %gather3A, %shift_right_logical3A_121 : vector<16xi32>
    %add3A_123 = arith.addi %broadcast_in_dim3A_109, %shift_right_logical3A_122 : vector<16xi32>
    %mul3A_124 = arith.constant 16 : i32
    %mul3A_125 = vector.broadcast %mul3A_124 : i32 to vector<16xi32>
    %mul3A_126 = arith.muli %iota3A, %mul3A_125 : vector<16xi32>
    %add3A_127 = arith.constant 0 : i32
    %add3A_128 = vector.broadcast %add3A_127 : i32 to vector<16xi32>
    %add3A_129 = arith.addi %mul3A_126, %add3A_128 : vector<16xi32>
    %gather3A_130 = tpu.vector_load_idx %arg16[%add3A_129] : memref<256xf32, #tpu.memory_space<vmem>>[vector<16xi32>], vector<16xf32>,
    %add3A_131 = arith.addf %broadcast_in_dim3A_111, %gather3A_130 : vector<16xf32>
    %mul3A_132 = arith.constant 16 : i32
    %mul3A_133 = vector.broadcast %mul3A_132 : i32 to vector<16xi32>
    %mul3A_134 = arith.muli %iota3A, %mul3A_133 : vector<16xi32>
    %add3A_135 = arith.constant 1 : i32
    %add3A_136 = vector.broadcast %add3A_135 : i32 to vector<16xi32>
    %add3A_137 = arith.addi %mul3A_134, %add3A_136 : vector<16xi32>
    %gather3A_138 = tpu.vector_load_idx %arg15[%add3A_137] : memref<256xi32, #tpu.memory_space<vmem>>[vector<16xi32>], vector<16xi32>,
    %and3A_139 = arith.constant 65535 : i32
    %and3A_140 = vector.broadcast %and3A_139 : i32 to vector<16xi32>
    %and3A_141 = arith.andi %gather3A_138, %and3A_140 : vector<16xi32>
    %add3A_142 = arith.addi %add3A_120, %and3A_141 : vector<16xi32>
    %shift_right_logical3A_143 = arith.constant 16 : i32
    %shift_right_logical3A_144 = vector.broadcast %shift_right_logical3A_143 : i32 to vector<16xi32>
    %shift_right_logical3A_145 = arith.shrui %gather3A_138, %shift_right_logical3A_144 : vector<16xi32>
    %add3A_146 = arith.addi %add3A_123, %shift_right_logical3A_145 : vector<16xi32>
    %mul3A_147 = arith.constant 16 : i32
    %mul3A_148 = vector.broadcast %mul3A_147 : i32 to vector<16xi32>
    %mul3A_149 = arith.muli %iota3A, %mul3A_148 : vector<16xi32>
    %add3A_150 = arith.constant 1 : i32
    %add3A_151 = vector.broadcast %add3A_150 : i32 to vector<16xi32>
    %add3A_152 = arith.addi %mul3A_149, %add3A_151 : vector<16xi32>
    %gather3A_153 = tpu.vector_load_idx %arg16[%add3A_152] : memref<256xf32, #tpu.memory_space<vmem>>[vector<16xi32>], vector<16xf32>,
    %add3A_154 = arith.addf %add3A_131, %gather3A_153 : vector<16xf32>
    %mul3A_155 = arith.constant 16 : i32
    %mul3A_156 = vector.broadcast %mul3A_155 : i32 to vector<16xi32>
    %mul3A_157 = arith.muli %iota3A, %mul3A_156 : vector<16xi32>
    %add3A_158 = arith.constant 2 : i32
    %add3A_159 = vector.broadcast %add3A_158 : i32 to vector<16xi32>
    %add3A_160 = arith.addi %mul3A_157, %add3A_159 : vector<16xi32>
    %gather3A_161 = tpu.vector_load_idx %arg15[%add3A_160] : memref<256xi32, #tpu.memory_space<vmem>>[vector<16xi32>], vector<16xi32>,
    %and3A_162 = arith.constant 65535 : i32
    %and3A_163 = vector.broadcast %and3A_162 : i32 to vector<16xi32>
    %and3A_164 = arith.andi %gather3A_161, %and3A_163 : vector<16xi32>
    %add3A_165 = arith.addi %add3A_142, %and3A_164 : vector<16xi32>
    %shift_right_logical3A_166 = arith.constant 16 : i32
    %shift_right_logical3A_167 = vector.broadcast %shift_right_logical3A_166 : i32 to vector<16xi32>
    %shift_right_logical3A_168 = arith.shrui %gather3A_161, %shift_right_logical3A_167 : vector<16xi32>
    %add3A_169 = arith.addi %add3A_146, %shift_right_logical3A_168 : vector<16xi32>
    %mul3A_170 = arith.constant 16 : i32
    %mul3A_171 = vector.broadcast %mul3A_170 : i32 to vector<16xi32>
    %mul3A_172 = arith.muli %iota3A, %mul3A_171 : vector<16xi32>
    %add3A_173 = arith.constant 2 : i32
    %add3A_174 = vector.broadcast %add3A_173 : i32 to vector<16xi32>
    %add3A_175 = arith.addi %mul3A_172, %add3A_174 : vector<16xi32>
    %gather3A_176 = tpu.vector_load_idx %arg16[%add3A_175] : memref<256xf32, #tpu.memory_space<vmem>>[vector<16xi32>], vector<16xf32>,
    %add3A_177 = arith.addf %add3A_154, %gather3A_176 : vector<16xf32>
    %mul3A_178 = arith.constant 16 : i32
    %mul3A_179 = vector.broadcast %mul3A_178 : i32 to vector<16xi32>
    %mul3A_180 = arith.muli %iota3A, %mul3A_179 : vector<16xi32>
    %add3A_181 = arith.constant 3 : i32
    %add3A_182 = vector.broadcast %add3A_181 : i32 to vector<16xi32>
    %add3A_183 = arith.addi %mul3A_180, %add3A_182 : vector<16xi32>
    %gather3A_184 = tpu.vector_load_idx %arg15[%add3A_183] : memref<256xi32, #tpu.memory_space<vmem>>[vector<16xi32>], vector<16xi32>,
    %and3A_185 = arith.constant 65535 : i32
    %and3A_186 = vector.broadcast %and3A_185 : i32 to vector<16xi32>
    %and3A_187 = arith.andi %gather3A_184, %and3A_186 : vector<16xi32>
    %add3A_188 = arith.addi %add3A_165, %and3A_187 : vector<16xi32>
    %shift_right_logical3A_189 = arith.constant 16 : i32
    %shift_right_logical3A_190 = vector.broadcast %shift_right_logical3A_189 : i32 to vector<16xi32>
    %shift_right_logical3A_191 = arith.shrui %gather3A_184, %shift_right_logical3A_190 : vector<16xi32>
    %add3A_192 = arith.addi %add3A_169, %shift_right_logical3A_191 : vector<16xi32>
    %mul3A_193 = arith.constant 16 : i32
    %mul3A_194 = vector.broadcast %mul3A_193 : i32 to vector<16xi32>
    %mul3A_195 = arith.muli %iota3A, %mul3A_194 : vector<16xi32>
    %add3A_196 = arith.constant 3 : i32
    %add3A_197 = vector.broadcast %add3A_196 : i32 to vector<16xi32>
    %add3A_198 = arith.addi %mul3A_195, %add3A_197 : vector<16xi32>
    %gather3A_199 = tpu.vector_load_idx %arg16[%add3A_198] : memref<256xf32, #tpu.memory_space<vmem>>[vector<16xi32>], vector<16xf32>,
    %add3A_200 = arith.addf %add3A_177, %gather3A_199 : vector<16xf32>
    %mul3A_201 = arith.constant 16 : i32
    %mul3A_202 = vector.broadcast %mul3A_201 : i32 to vector<16xi32>
    %mul3A_203 = arith.muli %iota3A, %mul3A_202 : vector<16xi32>
    %add3A_204 = arith.constant 4 : i32
    %add3A_205 = vector.broadcast %add3A_204 : i32 to vector<16xi32>
    %add3A_206 = arith.addi %mul3A_203, %add3A_205 : vector<16xi32>
    %gather3A_207 = tpu.vector_load_idx %arg15[%add3A_206] : memref<256xi32, #tpu.memory_space<vmem>>[vector<16xi32>], vector<16xi32>,
    %and3A_208 = arith.constant 65535 : i32
    %and3A_209 = vector.broadcast %and3A_208 : i32 to vector<16xi32>
    %and3A_210 = arith.andi %gather3A_207, %and3A_209 : vector<16xi32>
    %add3A_211 = arith.addi %add3A_188, %and3A_210 : vector<16xi32>
    %shift_right_logical3A_212 = arith.constant 16 : i32
    %shift_right_logical3A_213 = vector.broadcast %shift_right_logical3A_212 : i32 to vector<16xi32>
    %shift_right_logical3A_214 = arith.shrui %gather3A_207, %shift_right_logical3A_213 : vector<16xi32>
    %add3A_215 = arith.addi %add3A_192, %shift_right_logical3A_214 : vector<16xi32>
    %mul3A_216 = arith.constant 16 : i32
    %mul3A_217 = vector.broadcast %mul3A_216 : i32 to vector<16xi32>
    %mul3A_218 = arith.muli %iota3A, %mul3A_217 : vector<16xi32>
    %add3A_219 = arith.constant 4 : i32
    %add3A_220 = vector.broadcast %add3A_219 : i32 to vector<16xi32>
    %add3A_221 = arith.addi %mul3A_218, %add3A_220 : vector<16xi32>
    %gather3A_222 = tpu.vector_load_idx %arg16[%add3A_221] : memref<256xf32, #tpu.memory_space<vmem>>[vector<16xi32>], vector<16xf32>,
    %add3A_223 = arith.addf %add3A_200, %gather3A_222 : vector<16xf32>
    %mul3A_224 = arith.constant 16 : i32
    %mul3A_225 = vector.broadcast %mul3A_224 : i32 to vector<16xi32>
    %mul3A_226 = arith.muli %iota3A, %mul3A_225 : vector<16xi32>
    %add3A_227 = arith.constant 5 : i32
    %add3A_228 = vector.broadcast %add3A_227 : i32 to vector<16xi32>
    %add3A_229 = arith.addi %mul3A_226, %add3A_228 : vector<16xi32>
    %gather3A_230 = tpu.vector_load_idx %arg15[%add3A_229] : memref<256xi32, #tpu.memory_space<vmem>>[vector<16xi32>], vector<16xi32>,
    %and3A_231 = arith.constant 65535 : i32
    %and3A_232 = vector.broadcast %and3A_231 : i32 to vector<16xi32>
    %and3A_233 = arith.andi %gather3A_230, %and3A_232 : vector<16xi32>
    %add3A_234 = arith.addi %add3A_211, %and3A_233 : vector<16xi32>
    %shift_right_logical3A_235 = arith.constant 16 : i32
    %shift_right_logical3A_236 = vector.broadcast %shift_right_logical3A_235 : i32 to vector<16xi32>
    %shift_right_logical3A_237 = arith.shrui %gather3A_230, %shift_right_logical3A_236 : vector<16xi32>
    %add3A_238 = arith.addi %add3A_215, %shift_right_logical3A_237 : vector<16xi32>
    %mul3A_239 = arith.constant 16 : i32
    %mul3A_240 = vector.broadcast %mul3A_239 : i32 to vector<16xi32>
    %mul3A_241 = arith.muli %iota3A, %mul3A_240 : vector<16xi32>
    %add3A_242 = arith.constant 5 : i32
    %add3A_243 = vector.broadcast %add3A_242 : i32 to vector<16xi32>
    %add3A_244 = arith.addi %mul3A_241, %add3A_243 : vector<16xi32>
    %gather3A_245 = tpu.vector_load_idx %arg16[%add3A_244] : memref<256xf32, #tpu.memory_space<vmem>>[vector<16xi32>], vector<16xf32>,
    %add3A_246 = arith.addf %add3A_223, %gather3A_245 : vector<16xf32>
    %mul3A_247 = arith.constant 16 : i32
    %mul3A_248 = vector.broadcast %mul3A_247 : i32 to vector<16xi32>
    %mul3A_249 = arith.muli %iota3A, %mul3A_248 : vector<16xi32>
    %add3A_250 = arith.constant 6 : i32
    %add3A_251 = vector.broadcast %add3A_250 : i32 to vector<16xi32>
    %add3A_252 = arith.addi %mul3A_249, %add3A_251 : vector<16xi32>
    %gather3A_253 = tpu.vector_load_idx %arg15[%add3A_252] : memref<256xi32, #tpu.memory_space<vmem>>[vector<16xi32>], vector<16xi32>,
    %and3A_254 = arith.constant 65535 : i32
    %and3A_255 = vector.broadcast %and3A_254 : i32 to vector<16xi32>
    %and3A_256 = arith.andi %gather3A_253, %and3A_255 : vector<16xi32>
    %add3A_257 = arith.addi %add3A_234, %and3A_256 : vector<16xi32>
    %shift_right_logical3A_258 = arith.constant 16 : i32
    %shift_right_logical3A_259 = vector.broadcast %shift_right_logical3A_258 : i32 to vector<16xi32>
    %shift_right_logical3A_260 = arith.shrui %gather3A_253, %shift_right_logical3A_259 : vector<16xi32>
    %add3A_261 = arith.addi %add3A_238, %shift_right_logical3A_260 : vector<16xi32>
    %mul3A_262 = arith.constant 16 : i32
    %mul3A_263 = vector.broadcast %mul3A_262 : i32 to vector<16xi32>
    %mul3A_264 = arith.muli %iota3A, %mul3A_263 : vector<16xi32>
    %add3A_265 = arith.constant 6 : i32
    %add3A_266 = vector.broadcast %add3A_265 : i32 to vector<16xi32>
    %add3A_267 = arith.addi %mul3A_264, %add3A_266 : vector<16xi32>
    %gather3A_268 = tpu.vector_load_idx %arg16[%add3A_267] : memref<256xf32, #tpu.memory_space<vmem>>[vector<16xi32>], vector<16xf32>,
    %add3A_269 = arith.addf %add3A_246, %gather3A_268 : vector<16xf32>
    %mul3A_270 = arith.constant 16 : i32
    %mul3A_271 = vector.broadcast %mul3A_270 : i32 to vector<16xi32>
    %mul3A_272 = arith.muli %iota3A, %mul3A_271 : vector<16xi32>
    %add3A_273 = arith.constant 7 : i32
    %add3A_274 = vector.broadcast %add3A_273 : i32 to vector<16xi32>
    %add3A_275 = arith.addi %mul3A_272, %add3A_274 : vector<16xi32>
    %gather3A_276 = tpu.vector_load_idx %arg15[%add3A_275] : memref<256xi32, #tpu.memory_space<vmem>>[vector<16xi32>], vector<16xi32>,
    %and3A_277 = arith.constant 65535 : i32
    %and3A_278 = vector.broadcast %and3A_277 : i32 to vector<16xi32>
    %and3A_279 = arith.andi %gather3A_276, %and3A_278 : vector<16xi32>
    %add3A_280 = arith.addi %add3A_257, %and3A_279 : vector<16xi32>
    %shift_right_logical3A_281 = arith.constant 16 : i32
    %shift_right_logical3A_282 = vector.broadcast %shift_right_logical3A_281 : i32 to vector<16xi32>
    %shift_right_logical3A_283 = arith.shrui %gather3A_276, %shift_right_logical3A_282 : vector<16xi32>
    %add3A_284 = arith.addi %add3A_261, %shift_right_logical3A_283 : vector<16xi32>
    %mul3A_285 = arith.constant 16 : i32
    %mul3A_286 = vector.broadcast %mul3A_285 : i32 to vector<16xi32>
    %mul3A_287 = arith.muli %iota3A, %mul3A_286 : vector<16xi32>
    %add3A_288 = arith.constant 7 : i32
    %add3A_289 = vector.broadcast %add3A_288 : i32 to vector<16xi32>
    %add3A_290 = arith.addi %mul3A_287, %add3A_289 : vector<16xi32>
    %gather3A_291 = tpu.vector_load_idx %arg16[%add3A_290] : memref<256xf32, #tpu.memory_space<vmem>>[vector<16xi32>], vector<16xf32>,
    %add3A_292 = arith.addf %add3A_269, %gather3A_291 : vector<16xf32>
    %mul3A_293 = arith.constant 16 : i32
    %mul3A_294 = vector.broadcast %mul3A_293 : i32 to vector<16xi32>
    %mul3A_295 = arith.muli %iota3A, %mul3A_294 : vector<16xi32>
    %add3A_296 = arith.constant 8 : i32
    %add3A_297 = vector.broadcast %add3A_296 : i32 to vector<16xi32>
    %add3A_298 = arith.addi %mul3A_295, %add3A_297 : vector<16xi32>
    %gather3A_299 = tpu.vector_load_idx %arg15[%add3A_298] : memref<256xi32, #tpu.memory_space<vmem>>[vector<16xi32>], vector<16xi32>,
    %and3A_300 = arith.constant 65535 : i32
    %and3A_301 = vector.broadcast %and3A_300 : i32 to vector<16xi32>
    %and3A_302 = arith.andi %gather3A_299, %and3A_301 : vector<16xi32>
    %add3A_303 = arith.addi %add3A_280, %and3A_302 : vector<16xi32>
    %shift_right_logical3A_304 = arith.constant 16 : i32
    %shift_right_logical3A_305 = vector.broadcast %shift_right_logical3A_304 : i32 to vector<16xi32>
    %shift_right_logical3A_306 = arith.shrui %gather3A_299, %shift_right_logical3A_305 : vector<16xi32>
    %add3A_307 = arith.addi %add3A_284, %shift_right_logical3A_306 : vector<16xi32>
    %mul3A_308 = arith.constant 16 : i32
    %mul3A_309 = vector.broadcast %mul3A_308 : i32 to vector<16xi32>
    %mul3A_310 = arith.muli %iota3A, %mul3A_309 : vector<16xi32>
    %add3A_311 = arith.constant 8 : i32
    %add3A_312 = vector.broadcast %add3A_311 : i32 to vector<16xi32>
    %add3A_313 = arith.addi %mul3A_310, %add3A_312 : vector<16xi32>
    %gather3A_314 = tpu.vector_load_idx %arg16[%add3A_313] : memref<256xf32, #tpu.memory_space<vmem>>[vector<16xi32>], vector<16xf32>,
    %add3A_315 = arith.addf %add3A_292, %gather3A_314 : vector<16xf32>
    %mul3A_316 = arith.constant 16 : i32
    %mul3A_317 = vector.broadcast %mul3A_316 : i32 to vector<16xi32>
    %mul3A_318 = arith.muli %iota3A, %mul3A_317 : vector<16xi32>
    %add3A_319 = arith.constant 9 : i32
    %add3A_320 = vector.broadcast %add3A_319 : i32 to vector<16xi32>
    %add3A_321 = arith.addi %mul3A_318, %add3A_320 : vector<16xi32>
    %gather3A_322 = tpu.vector_load_idx %arg15[%add3A_321] : memref<256xi32, #tpu.memory_space<vmem>>[vector<16xi32>], vector<16xi32>,
    %and3A_323 = arith.constant 65535 : i32
    %and3A_324 = vector.broadcast %and3A_323 : i32 to vector<16xi32>
    %and3A_325 = arith.andi %gather3A_322, %and3A_324 : vector<16xi32>
    %add3A_326 = arith.addi %add3A_303, %and3A_325 : vector<16xi32>
    %shift_right_logical3A_327 = arith.constant 16 : i32
    %shift_right_logical3A_328 = vector.broadcast %shift_right_logical3A_327 : i32 to vector<16xi32>
    %shift_right_logical3A_329 = arith.shrui %gather3A_322, %shift_right_logical3A_328 : vector<16xi32>
    %add3A_330 = arith.addi %add3A_307, %shift_right_logical3A_329 : vector<16xi32>
    %mul3A_331 = arith.constant 16 : i32
    %mul3A_332 = vector.broadcast %mul3A_331 : i32 to vector<16xi32>
    %mul3A_333 = arith.muli %iota3A, %mul3A_332 : vector<16xi32>
    %add3A_334 = arith.constant 9 : i32
    %add3A_335 = vector.broadcast %add3A_334 : i32 to vector<16xi32>
    %add3A_336 = arith.addi %mul3A_333, %add3A_335 : vector<16xi32>
    %gather3A_337 = tpu.vector_load_idx %arg16[%add3A_336] : memref<256xf32, #tpu.memory_space<vmem>>[vector<16xi32>], vector<16xf32>,
    %add3A_338 = arith.addf %add3A_315, %gather3A_337 : vector<16xf32>
    %mul3A_339 = arith.constant 16 : i32
    %mul3A_340 = vector.broadcast %mul3A_339 : i32 to vector<16xi32>
    %mul3A_341 = arith.muli %iota3A, %mul3A_340 : vector<16xi32>
    %add3A_342 = arith.constant 10 : i32
    %add3A_343 = vector.broadcast %add3A_342 : i32 to vector<16xi32>
    %add3A_344 = arith.addi %mul3A_341, %add3A_343 : vector<16xi32>
    %gather3A_345 = tpu.vector_load_idx %arg15[%add3A_344] : memref<256xi32, #tpu.memory_space<vmem>>[vector<16xi32>], vector<16xi32>,
    %and3A_346 = arith.constant 65535 : i32
    %and3A_347 = vector.broadcast %and3A_346 : i32 to vector<16xi32>
    %and3A_348 = arith.andi %gather3A_345, %and3A_347 : vector<16xi32>
    %add3A_349 = arith.addi %add3A_326, %and3A_348 : vector<16xi32>
    %shift_right_logical3A_350 = arith.constant 16 : i32
    %shift_right_logical3A_351 = vector.broadcast %shift_right_logical3A_350 : i32 to vector<16xi32>
    %shift_right_logical3A_352 = arith.shrui %gather3A_345, %shift_right_logical3A_351 : vector<16xi32>
    %add3A_353 = arith.addi %add3A_330, %shift_right_logical3A_352 : vector<16xi32>
    %mul3A_354 = arith.constant 16 : i32
    %mul3A_355 = vector.broadcast %mul3A_354 : i32 to vector<16xi32>
    %mul3A_356 = arith.muli %iota3A, %mul3A_355 : vector<16xi32>
    %add3A_357 = arith.constant 10 : i32
    %add3A_358 = vector.broadcast %add3A_357 : i32 to vector<16xi32>
    %add3A_359 = arith.addi %mul3A_356, %add3A_358 : vector<16xi32>
    %gather3A_360 = tpu.vector_load_idx %arg16[%add3A_359] : memref<256xf32, #tpu.memory_space<vmem>>[vector<16xi32>], vector<16xf32>,
    %add3A_361 = arith.addf %add3A_338, %gather3A_360 : vector<16xf32>
    %mul3A_362 = arith.constant 16 : i32
    %mul3A_363 = vector.broadcast %mul3A_362 : i32 to vector<16xi32>
    %mul3A_364 = arith.muli %iota3A, %mul3A_363 : vector<16xi32>
    %add3A_365 = arith.constant 11 : i32
    %add3A_366 = vector.broadcast %add3A_365 : i32 to vector<16xi32>
    %add3A_367 = arith.addi %mul3A_364, %add3A_366 : vector<16xi32>
    %gather3A_368 = tpu.vector_load_idx %arg15[%add3A_367] : memref<256xi32, #tpu.memory_space<vmem>>[vector<16xi32>], vector<16xi32>,
    %and3A_369 = arith.constant 65535 : i32
    %and3A_370 = vector.broadcast %and3A_369 : i32 to vector<16xi32>
    %and3A_371 = arith.andi %gather3A_368, %and3A_370 : vector<16xi32>
    %add3A_372 = arith.addi %add3A_349, %and3A_371 : vector<16xi32>
    %shift_right_logical3A_373 = arith.constant 16 : i32
    %shift_right_logical3A_374 = vector.broadcast %shift_right_logical3A_373 : i32 to vector<16xi32>
    %shift_right_logical3A_375 = arith.shrui %gather3A_368, %shift_right_logical3A_374 : vector<16xi32>
    %add3A_376 = arith.addi %add3A_353, %shift_right_logical3A_375 : vector<16xi32>
    %mul3A_377 = arith.constant 16 : i32
    %mul3A_378 = vector.broadcast %mul3A_377 : i32 to vector<16xi32>
    %mul3A_379 = arith.muli %iota3A, %mul3A_378 : vector<16xi32>
    %add3A_380 = arith.constant 11 : i32
    %add3A_381 = vector.broadcast %add3A_380 : i32 to vector<16xi32>
    %add3A_382 = arith.addi %mul3A_379, %add3A_381 : vector<16xi32>
    %gather3A_383 = tpu.vector_load_idx %arg16[%add3A_382] : memref<256xf32, #tpu.memory_space<vmem>>[vector<16xi32>], vector<16xf32>,
    %add3A_384 = arith.addf %add3A_361, %gather3A_383 : vector<16xf32>
    %mul3A_385 = arith.constant 16 : i32
    %mul3A_386 = vector.broadcast %mul3A_385 : i32 to vector<16xi32>
    %mul3A_387 = arith.muli %iota3A, %mul3A_386 : vector<16xi32>
    %add3A_388 = arith.constant 12 : i32
    %add3A_389 = vector.broadcast %add3A_388 : i32 to vector<16xi32>
    %add3A_390 = arith.addi %mul3A_387, %add3A_389 : vector<16xi32>
    %gather3A_391 = tpu.vector_load_idx %arg15[%add3A_390] : memref<256xi32, #tpu.memory_space<vmem>>[vector<16xi32>], vector<16xi32>,
    %and3A_392 = arith.constant 65535 : i32
    %and3A_393 = vector.broadcast %and3A_392 : i32 to vector<16xi32>
    %and3A_394 = arith.andi %gather3A_391, %and3A_393 : vector<16xi32>
    %add3A_395 = arith.addi %add3A_372, %and3A_394 : vector<16xi32>
    %shift_right_logical3A_396 = arith.constant 16 : i32
    %shift_right_logical3A_397 = vector.broadcast %shift_right_logical3A_396 : i32 to vector<16xi32>
    %shift_right_logical3A_398 = arith.shrui %gather3A_391, %shift_right_logical3A_397 : vector<16xi32>
    %add3A_399 = arith.addi %add3A_376, %shift_right_logical3A_398 : vector<16xi32>
    %mul3A_400 = arith.constant 16 : i32
    %mul3A_401 = vector.broadcast %mul3A_400 : i32 to vector<16xi32>
    %mul3A_402 = arith.muli %iota3A, %mul3A_401 : vector<16xi32>
    %add3A_403 = arith.constant 12 : i32
    %add3A_404 = vector.broadcast %add3A_403 : i32 to vector<16xi32>
    %add3A_405 = arith.addi %mul3A_402, %add3A_404 : vector<16xi32>
    %gather3A_406 = tpu.vector_load_idx %arg16[%add3A_405] : memref<256xf32, #tpu.memory_space<vmem>>[vector<16xi32>], vector<16xf32>,
    %add3A_407 = arith.addf %add3A_384, %gather3A_406 : vector<16xf32>
    %mul3A_408 = arith.constant 16 : i32
    %mul3A_409 = vector.broadcast %mul3A_408 : i32 to vector<16xi32>
    %mul3A_410 = arith.muli %iota3A, %mul3A_409 : vector<16xi32>
    %add3A_411 = arith.constant 13 : i32
    %add3A_412 = vector.broadcast %add3A_411 : i32 to vector<16xi32>
    %add3A_413 = arith.addi %mul3A_410, %add3A_412 : vector<16xi32>
    %gather3A_414 = tpu.vector_load_idx %arg15[%add3A_413] : memref<256xi32, #tpu.memory_space<vmem>>[vector<16xi32>], vector<16xi32>,
    %and3A_415 = arith.constant 65535 : i32
    %and3A_416 = vector.broadcast %and3A_415 : i32 to vector<16xi32>
    %and3A_417 = arith.andi %gather3A_414, %and3A_416 : vector<16xi32>
    %add3A_418 = arith.addi %add3A_395, %and3A_417 : vector<16xi32>
    %shift_right_logical3A_419 = arith.constant 16 : i32
    %shift_right_logical3A_420 = vector.broadcast %shift_right_logical3A_419 : i32 to vector<16xi32>
    %shift_right_logical3A_421 = arith.shrui %gather3A_414, %shift_right_logical3A_420 : vector<16xi32>
    %add3A_422 = arith.addi %add3A_399, %shift_right_logical3A_421 : vector<16xi32>
    %mul3A_423 = arith.constant 16 : i32
    %mul3A_424 = vector.broadcast %mul3A_423 : i32 to vector<16xi32>
    %mul3A_425 = arith.muli %iota3A, %mul3A_424 : vector<16xi32>
    %add3A_426 = arith.constant 13 : i32
    %add3A_427 = vector.broadcast %add3A_426 : i32 to vector<16xi32>
    %add3A_428 = arith.addi %mul3A_425, %add3A_427 : vector<16xi32>
    %gather3A_429 = tpu.vector_load_idx %arg16[%add3A_428] : memref<256xf32, #tpu.memory_space<vmem>>[vector<16xi32>], vector<16xf32>,
    %add3A_430 = arith.addf %add3A_407, %gather3A_429 : vector<16xf32>
    %mul3A_431 = arith.constant 16 : i32
    %mul3A_432 = vector.broadcast %mul3A_431 : i32 to vector<16xi32>
    %mul3A_433 = arith.muli %iota3A, %mul3A_432 : vector<16xi32>
    %add3A_434 = arith.constant 14 : i32
    %add3A_435 = vector.broadcast %add3A_434 : i32 to vector<16xi32>
    %add3A_436 = arith.addi %mul3A_433, %add3A_435 : vector<16xi32>
    %gather3A_437 = tpu.vector_load_idx %arg15[%add3A_436] : memref<256xi32, #tpu.memory_space<vmem>>[vector<16xi32>], vector<16xi32>,
    %and3A_438 = arith.constant 65535 : i32
    %and3A_439 = vector.broadcast %and3A_438 : i32 to vector<16xi32>
    %and3A_440 = arith.andi %gather3A_437, %and3A_439 : vector<16xi32>
    %add3A_441 = arith.addi %add3A_418, %and3A_440 : vector<16xi32>
    %shift_right_logical3A_442 = arith.constant 16 : i32
    %shift_right_logical3A_443 = vector.broadcast %shift_right_logical3A_442 : i32 to vector<16xi32>
    %shift_right_logical3A_444 = arith.shrui %gather3A_437, %shift_right_logical3A_443 : vector<16xi32>
    %add3A_445 = arith.addi %add3A_422, %shift_right_logical3A_444 : vector<16xi32>
    %mul3A_446 = arith.constant 16 : i32
    %mul3A_447 = vector.broadcast %mul3A_446 : i32 to vector<16xi32>
    %mul3A_448 = arith.muli %iota3A, %mul3A_447 : vector<16xi32>
    %add3A_449 = arith.constant 14 : i32
    %add3A_450 = vector.broadcast %add3A_449 : i32 to vector<16xi32>
    %add3A_451 = arith.addi %mul3A_448, %add3A_450 : vector<16xi32>
    %gather3A_452 = tpu.vector_load_idx %arg16[%add3A_451] : memref<256xf32, #tpu.memory_space<vmem>>[vector<16xi32>], vector<16xf32>,
    %add3A_453 = arith.addf %add3A_430, %gather3A_452 : vector<16xf32>
    %mul3A_454 = arith.constant 16 : i32
    %mul3A_455 = vector.broadcast %mul3A_454 : i32 to vector<16xi32>
    %mul3A_456 = arith.muli %iota3A, %mul3A_455 : vector<16xi32>
    %add3A_457 = arith.constant 15 : i32
    %add3A_458 = vector.broadcast %add3A_457 : i32 to vector<16xi32>
    %add3A_459 = arith.addi %mul3A_456, %add3A_458 : vector<16xi32>
    %gather3A_460 = tpu.vector_load_idx %arg15[%add3A_459] : memref<256xi32, #tpu.memory_space<vmem>>[vector<16xi32>], vector<16xi32>,
    %and3A_461 = arith.constant 65535 : i32
    %and3A_462 = vector.broadcast %and3A_461 : i32 to vector<16xi32>
    %and3A_463 = arith.andi %gather3A_460, %and3A_462 : vector<16xi32>
    %add3A_464 = arith.addi %add3A_441, %and3A_463 : vector<16xi32>
    %shift_right_logical3A_465 = arith.constant 16 : i32
    %shift_right_logical3A_466 = vector.broadcast %shift_right_logical3A_465 : i32 to vector<16xi32>
    %shift_right_logical3A_467 = arith.shrui %gather3A_460, %shift_right_logical3A_466 : vector<16xi32>
    %add3A_468 = arith.addi %add3A_445, %shift_right_logical3A_467 : vector<16xi32>
    %mul3A_469 = arith.constant 16 : i32
    %mul3A_470 = vector.broadcast %mul3A_469 : i32 to vector<16xi32>
    %mul3A_471 = arith.muli %iota3A, %mul3A_470 : vector<16xi32>
    %add3A_472 = arith.constant 15 : i32
    %add3A_473 = vector.broadcast %add3A_472 : i32 to vector<16xi32>
    %add3A_474 = arith.addi %mul3A_471, %add3A_473 : vector<16xi32>
    %gather3A_475 = tpu.vector_load_idx %arg16[%add3A_474] : memref<256xf32, #tpu.memory_space<vmem>>[vector<16xi32>], vector<16xf32>,
    %add3A_476 = arith.addf %add3A_453, %gather3A_475 : vector<16xf32>
    %convert_element_type3A = arith.sitofp %add3A_464 : vector<16xi32> to vector<16xf32>
    %swap3A_477 = arith.constant 0 : i32
    %swap3A_478 = arith.index_cast %swap3A_477 : i32 to index
    %swap3A_479 = arith.constant 0 : index
    %swap3A_480 = tpu.vector_load %arg17[%swap3A_478, %swap3A_479] {strides = array<i32>} : memref<3x16xf32, #tpu.memory_space<vmem>>, vector<16xf32>,
    tpu.vector_store %arg17[%swap3A_478, %swap3A_479], %convert_element_type3A {strides = array<i32>} : memref<3x16xf32, #tpu.memory_space<vmem>>, vector<16xf32>,
    %swap3A_481 = arith.constant 1 : i32
    %swap3A_482 = arith.index_cast %swap3A_481 : i32 to index
    %swap3A_483 = arith.constant 0 : index
    %swap3A_484 = tpu.vector_load %arg17[%swap3A_482, %swap3A_483] {strides = array<i32>} : memref<3x16xf32, #tpu.memory_space<vmem>>, vector<16xf32>,
    tpu.vector_store %arg17[%swap3A_482, %swap3A_483], %add3A_476 {strides = array<i32>} : memref<3x16xf32, #tpu.memory_space<vmem>>, vector<16xf32>,
    %convert_element_type3A_485 = arith.sitofp %add3A_468 : vector<16xi32> to vector<16xf32>
    %swap3A_486 = arith.constant 2 : i32
    %swap3A_487 = arith.index_cast %swap3A_486 : i32 to index
    %swap3A_488 = arith.constant 0 : index
    %swap3A_489 = tpu.vector_load %arg17[%swap3A_487, %swap3A_488] {strides = array<i32>} : memref<3x16xf32, #tpu.memory_space<vmem>>, vector<16xf32>,
    tpu.vector_store %arg17[%swap3A_487, %swap3A_488], %convert_element_type3A_485 {strides = array<i32>} : memref<3x16xf32, #tpu.memory_space<vmem>>, vector<16xf32>,
    "tpu.region"() ({
      %run_scoped3A = tpu.sem_alloc : memref<!tpu.dma_semaphore, #tpu.memory_space<semaphore_mem>>
      %dma_start3A_490 = arith.constant 0 : i32
      %dma_start3A_491 = arith.constant 0 : i32
      %dma_start3A_492 = tpu.memref_slice %arg5[%add3A, %dma_start3A_490, %dma_start3A_491] : memref<32x3x16xf32, #tpu.memory_space<hbm>> -> memref<1x3x16xf32, #tpu.memory_space<hbm>>
      %dma_start3A_493 = tpu.memref_squeeze %dma_start3A_492 : memref<1x3x16xf32, #tpu.memory_space<hbm>> -> memref<3x16xf32, #tpu.memory_space<hbm>>
      %dma_start3A_494 = arith.constant 0 : i32
      %dma_start3A_495 = arith.constant 0 : i32
      %dma_start3A_496 = tpu.memref_slice %arg5[%add3A, %dma_start3A_494, %dma_start3A_495] : memref<32x3x16xf32, #tpu.memory_space<hbm>> -> memref<1x3x16xf32, #tpu.memory_space<hbm>>
      %dma_start3A_497 = tpu.memref_squeeze %dma_start3A_496 : memref<1x3x16xf32, #tpu.memory_space<hbm>> -> memref<3x16xf32, #tpu.memory_space<hbm>>
      tpu.enqueue_dma source(%arg17 : memref<3x16xf32, #tpu.memory_space<vmem>>) target(%dma_start3A_497 : memref<3x16xf32, #tpu.memory_space<hbm>>) target_semaphore(%run_scoped3A : memref<!tpu.dma_semaphore, #tpu.memory_space<semaphore_mem>>)
      %dma_wait3A_498 = arith.constant 0 : i32
      %dma_wait3A_499 = arith.constant 0 : i32
      %dma_wait3A_500 = tpu.memref_slice %arg5[%add3A, %dma_wait3A_498, %dma_wait3A_499] : memref<32x3x16xf32, #tpu.memory_space<hbm>> -> memref<1x3x16xf32, #tpu.memory_space<hbm>>
      %dma_wait3A_501 = tpu.memref_squeeze %dma_wait3A_500 : memref<1x3x16xf32, #tpu.memory_space<hbm>> -> memref<3x16xf32, #tpu.memory_space<hbm>>
      %dma_wait3A_502 = arith.constant 0 : i32
      %dma_wait3A_503 = arith.constant 0 : i32
      %dma_wait3A_504 = tpu.memref_slice %arg5[%add3A, %dma_wait3A_502, %dma_wait3A_503] : memref<32x3x16xf32, #tpu.memory_space<hbm>> -> memref<1x3x16xf32, #tpu.memory_space<hbm>>
      %dma_wait3A_505 = tpu.memref_squeeze %dma_wait3A_504 : memref<1x3x16xf32, #tpu.memory_space<hbm>> -> memref<3x16xf32, #tpu.memory_space<hbm>>
      tpu.wait_dma2 semaphore(%run_scoped3A : memref<!tpu.dma_semaphore, #tpu.memory_space<semaphore_mem>>) src(%arg17 : memref<3x16xf32, #tpu.memory_space<vmem>>) dst(%dma_wait3A_505 : memref<3x16xf32, #tpu.memory_space<hbm>>)
      tpu.yield
    }) : () -> ()
    return
  }
}

module attributes {stable_mosaic.version = 14 : i64} {
  func.func @_fin_body(%arg0: memref<32x3x16xf32, #tpu.memory_space<vmem>>, %arg1: memref<1xf32, #tpu.memory_space<smem>>) attributes {dimension_semantics = [], scalar_prefetch = 0 : i64, scratch_operands = 0 : i64, tpu.core_type = #tpu.core_type<tc>} {
    %get3A = arith.constant 0 : index
    %get3A_0 = arith.constant 0 : index
    %get3A_1 = arith.constant 0 : index
    %get3A_2 = vector.load %arg0[%get3A, %get3A_0, %get3A_1] : memref<32x3x16xf32, #tpu.memory_space<vmem>>, vector<32x3x16xf32>
    %reduce_sum3A = arith.constant dense<0.000000e+00> : vector<3x16xf32>
    %reduce_sum3A_3 = vector.multi_reduction <add>, %get3A_2, %reduce_sum3A [0] : vector<32x3x16xf32> to vector<3x16xf32>
    %slice3A = vector.extract_strided_slice %reduce_sum3A_3 {offsets = [0, 0], sizes = [1, 16], strides = [1, 1]} : vector<3x16xf32> to vector<1x16xf32>
    %slice3A_4 = vector.extract_strided_slice %reduce_sum3A_3 {offsets = [1, 0], sizes = [1, 16], strides = [1, 1]} : vector<3x16xf32> to vector<1x16xf32>
    %slice3A_5 = vector.extract_strided_slice %reduce_sum3A_3 {offsets = [2, 0], sizes = [1, 16], strides = [1, 1]} : vector<3x16xf32> to vector<1x16xf32>
    %max3A = arith.constant 1.000000e+00 : f32
    %max3A_6 = vector.broadcast %max3A : f32 to vector<1x16xf32>
    %max3A_7 = arith.maximumf %slice3A, %max3A_6 : vector<1x16xf32>
    %div3A = arith.divf %slice3A_4, %max3A_7 : vector<1x16xf32>
    %div3A_8 = arith.divf %slice3A_5, %max3A_7 : vector<1x16xf32>
    %sub3A = arith.subf %div3A, %div3A_8 : vector<1x16xf32>
    %abs3A = math.absf %sub3A : vector<1x16xf32>
    %div3A_9 = arith.constant 0x4B800000 : f32
    %div3A_10 = vector.broadcast %div3A_9 : f32 to vector<1x16xf32>
    %div3A_11 = arith.divf %slice3A, %div3A_10 : vector<1x16xf32>
    %mul3A = arith.mulf %abs3A, %div3A_11 : vector<1x16xf32>
    %gt3A = arith.constant 0.000000e+00 : f32
    %gt3A_12 = vector.broadcast %gt3A : f32 to vector<1x16xf32>
    %gt3A_13 = arith.cmpf ogt, %slice3A, %gt3A_12 : vector<1x16xf32>
    %jit3A = arith.constant 0.000000e+00 : f32
    %broadcast_in_dim3A = vector.broadcast %jit3A : f32 to vector<1x16xf32>
    %select_n3A = arith.select %gt3A_13, %mul3A, %broadcast_in_dim3A : vector<1x16xi1>, vector<1x16xf32>
    %reduce_sum3A_14 = vector.shape_cast %select_n3A : vector<1x16xf32> to vector<1x1x16xf32>
    %reduce_sum3A_15 = arith.constant dense<0.000000e+00> : vector<1xf32>
    %reduce_sum3A_16 = vector.multi_reduction <add>, %reduce_sum3A_14, %reduce_sum3A_15 [1, 2] : vector<1x1x16xf32> to vector<1xf32>
    %reduce_sum3A_17 = vector.shape_cast %reduce_sum3A_16 : vector<1xf32> to vector<1x1x1xf32>
    %reduce_sum3A_18 = vector.extract %reduce_sum3A_17[0, 0, 0] : f32 from vector<1x1x1xf32>
    %swap3A = arith.constant 0 : index
    %swap3A_19 = memref.load %arg1[%swap3A] : memref<1xf32, #tpu.memory_space<smem>>
    memref.store %reduce_sum3A_18, %arg1[%swap3A] : memref<1xf32, #tpu.memory_space<smem>>
    return
  }
}

</mosaic_0001>

<sc_bundles>
// kernel: kernel.4.cloned.1.call-start
scs
__scs_entry_jumppad:
0x0: {  	(pc) =	sbr.rel $0x88, $3  }
0x1: {  	(tag) =	ssettag $0x0;
	lr =	simm.s32 $0x1  }
0x2: {  	[smem:$0x3F9E] =	sst lr;
	_ =	strace $0xD0000000  }
0x3: {  	_ = 	snop  }
0x4: {  	_ = 	snop  }
0x5: {  	_ = 	snop  }
0x6: {  	_ = 	snop  }
0x7: {  	_ = 	snop  }
__scs_overlays_trampoline_lowered:
0x8: {  	[smem:$0x3FAD] =	sst s0  }
0x9: {  	[smem:$0x3FAE] =	sst s1  }
0xa: {  	[smem:$0x3FAF] =	sst s2  }
0xb: {  	[smem:$0x3FB0] =	sst s3  }
0xc: {  	[smem:$0x3FB1] =	sst s4  }
0xd: {  	[smem:$0x3FB2] =	sst s5  }
0xe: {  	[smem:$0x3FB3] =	sst s6  }
0xf: {  	[smem:$0x3FB4] =	sst s7  }
0x10: {  	[smem:$0x3FB5] =	sst s8  }
0x11: {  	[smem:$0x3FB6] =	sst s9;
	s0 =	simm.s32 @!p0 $0x0  }
0x12: {  	s1 =	sld [smem:$0x3F9C];
	s0 =	simm.s32 @p0 $0x1  }
0x13: {  	[smem:$0x3FB7] =	sst s0;
	s0 =	simm.s32 @!p1 $0x0  }
0x14: {  	s2 =	sld [smem:$0x3F9B];
	s0 =	simm.s32 @p1 $0x1  }
0x15: {  	[smem:$0x3FB8] =	sst s0;
	s0 =	simm.s32 @!p2 $0x0  }
0x16: {  	s3 =	sld [smem:$0x3FDB];
	s0 =	simm.s32 @p2 $0x1  }
0x17: {  	s4 =	simm.s32 $0x1BF5;
	[smem:$0x3FBA] =	sst s0  }
0x18: {  	s0 =	sld [smem:$0x3F9D];
	_ =	swait.ge [sflag:s4], $0x0  }
0x19: {  	s7 =	sld [smem:$0x3F9E]  }
0x1a: {  	s8 =	sadd.s32 $0xFFFFE003, lr  }
0x1b: {  	s9 =	sadd.s32 $0xFFFFFEF7, lr;
	s5 =	simm.s32 $0xFFFFFFFF;
	p2 =	slt.u32 s8, $0xFFFFF086  }
0x1c: {  	p1 =	slt.u32 s9, $0xF7A;
	s5 =	simm.s32 @!p2 $0x0  }
0x1d: {  	s5 =	simm.s32 @p1 $0x1;
	p0 =	seq.s32 s7, s2  }
0x1e: {  	s7 =	smul.u32 @!p0 $0xF7A, s2;
	p2 =	seq.s32 @!p0 s5, $0x0  }
0x1f: {  	s9 =	smul.u32 $0xF7A, s1;
	s8 =	simm.s32 @!p0 $0x1BF5;
	p2 =	por !p2, p0  }
0x20: {  	[sflag:s8] =	ssyncset.s32 @!p0 $0xFFFFF086;
	s6 =	sadd.s32 @!p0 s3, s7;
	s7 =	simm.s32 @!p0 $0x108  }
0x21: {  	s3 =	sadd.s32 s3, s9;
	s6 =	sadd.s32 @!p0 $0x88, s6;
	s7 =	simm.s32 @p2 $0x1082  }
0x22: {  	[simem:s7], [sflag:s8] =	dma.local @!p0 [hbm:s6], $0xF7A  }
0x23: {  	s9 =	sor.u32 $0xD0000000, s2;
	s6 =	simm.s32 $0x108;
	_ =	swait.ge @!p0 [sflag:s8], $0x0  }
0x24: {  	s3 =	sadd.s32 $0x88, s3;
	s6 =	simm.s32 @!p1 $0x1082;
	[sflag:s4] =	ssyncset.s32 $0xFFFFF086  }
0x25: {  	[simem:s6], [sflag:s4] =	dma.local [hbm:s3], $0xF7A  }
0x26: {  	[smem:$0x3F9E] =	sst s1;
	(tag) =	ssettag s2;
	_ =	strace s9  }
0x27: {  	s1 =	sld [smem:$0x3FAE]  }
0x28: {  	s2 =	sld [smem:$0x3FAF]  }
0x29: {  	s4 =	sld [smem:$0x3FB1]  }
0x2a: {  	p0 =	seq.s32 s5, $0x0;
	s5 =	sld [smem:$0x3FB2]  }
0x2b: {  	s6 =	sld [smem:$0x3FB3]  }
0x2c: {  	s7 =	sld [smem:$0x3FB4]  }
0x2d: {  	s3 =	simm.s32 $0x108;
	s8 =	sld [smem:$0x3FB5]  }
0x2e: {  	s3 =	simm.s32 @!p0 $0x1082;
	s9 =	sld [smem:$0x3FB6]  }
0x2f: {  	lr =	sadd.s32 s0, s3;
	s0 =	sld [smem:$0x3FAD]  }
0x30: {  	s3 =	sld [smem:$0x3FB0]  }
0x31: {  	[smem:$0x3FB9] =	sst s10  }
0x32: {  	s10 =	sld [smem:$0x3FB7];
	_ =	sdelay $0x3  }
0x33: {  	p0 =	seq.s32 s10, $0x1;
	s10 =	sld [smem:$0x3FB9];
	_ =	sdelay $0x3  }
0x34: {  	[smem:$0x3FB9] =	sst s10  }
0x35: {  	s10 =	sld [smem:$0x3FB8];
	_ =	sdelay $0x3  }
0x36: {  	p1 =	seq.s32 s10, $0x1;
	s10 =	sld [smem:$0x3FB9];
	_ =	sdelay $0x3  }
0x37: {  	[smem:$0x3FB9] =	sst s10  }
0x38: {  	s10 =	sld [smem:$0x3FBA]  }
0x39: {  	_ = 	snop;
	(pc) =	sbr.ind lr, $3  }
0x3a: {  	_ = 	snop  }
0x3b: {  	_ = 	snop  }
0x3c: {  	p2 =	seq.s32 s10, $0x1;
	s10 =	sld [smem:$0x3FB9]  }
0x3d: {  	_ =	shalt  }
0x3e: {  	_ =	shalt  }
0x3f: {  	_ =	shalt  }
0x40: {  	_ =	shalt  }
0x41: {  	_ =	shalt  }
0x42: {  	_ =	shalt  }
0x43: {  	_ =	shalt  }
0x44: {  	_ =	shalt  }
0x45: {  	_ =	shalt  }
0x46: {  	_ =	shalt  }
0x47: {  	_ =	shalt  }
0x48: {  	_ =	shalt  }
0x49: {  	_ =	shalt  }
0x4a: {  	_ =	shalt  }
0x4b: {  	_ =	shalt  }
0x4c: {  	_ =	shalt  }
0x4d: {  	_ =	shalt  }
0x4e: {  	_ =	shalt  }
0x4f: {  	_ =	shalt  }
0x50: {  	_ =	shalt  }
0x51: {  	_ =	shalt  }
0x52: {  	_ =	shalt  }
0x53: {  	_ =	shalt  }
0x54: {  	_ =	shalt  }
0x55: {  	_ =	shalt  }
0x56: {  	_ =	shalt  }
0x57: {  	_ =	shalt  }
0x58: {  	_ =	shalt  }
0x59: {  	_ =	shalt  }
0x5a: {  	_ =	shalt  }
0x5b: {  	_ =	shalt  }
0x5c: {  	_ =	shalt  }
0x5d: {  	_ =	shalt  }
0x5e: {  	_ =	shalt  }
0x5f: {  	_ =	shalt  }
0x60: {  	_ =	shalt  }
0x61: {  	_ =	shalt  }
0x62: {  	_ =	shalt  }
0x63: {  	_ =	shalt  }
0x64: {  	_ =	shalt  }
0x65: {  	_ =	shalt  }
0x66: {  	_ =	shalt  }
0x67: {  	_ =	shalt  }
0x68: {  	_ =	shalt  }
0x69: {  	_ =	shalt  }
0x6a: {  	_ =	shalt  }
0x6b: {  	_ =	shalt  }
0x6c: {  	_ =	shalt  }
0x6d: {  	_ =	shalt  }
0x6e: {  	_ =	shalt  }
0x6f: {  	_ =	shalt  }
0x70: {  	_ =	shalt  }
0x71: {  	_ =	shalt  }
0x72: {  	_ =	shalt  }
0x73: {  	_ =	shalt  }
0x74: {  	_ =	shalt  }
0x75: {  	_ =	shalt  }
0x76: {  	_ =	shalt  }
0x77: {  	_ =	shalt  }
0x78: {  	_ =	shalt  }
0x79: {  	_ =	shalt  }
0x7a: {  	_ =	shalt  }
0x7b: {  	_ =	shalt  }
0x7c: {  	_ =	shalt  }
0x7d: {  	_ =	shalt  }
0x7e: {  	_ =	shalt  }
0x7f: {  	_ =	shalt  }
0x80: {  	_ =	shalt  }
0x81: {  	_ =	shalt  }
0x82: {  	_ =	shalt  }
0x83: {  	_ =	shalt  }
0x84: {  	_ =	shalt  }
0x85: {  	_ =	shalt  }
0x86: {  	_ =	shalt  }
0x87: {  	_ =	shalt  }
.Lfunc_end0:
.L_simem_size_0:
called_computation_lowered:
.L_overlay_start_0:
0x88: {  	s2 =	sld [smem:$0x3FD9]  }
0x89: {  	s3 =	sld [smem:$0x3FFE];
	_ =	sdelay $0x1  }
0x8a: {  	s1 =	srdreg.scid  }
0x8b: {  	s0 =	sand.u32 $0x1, s1  }
0x8c: {  	s17 =	sshll.u32 s0, $0xA;
	s2 =	sadd.s32 s3, s2  }
0x8d: {  	s2 =	sadd.s32 s2, s17  }
0x8e: {  	[smem:$0x3FC5] =	sst s2  }
0x8f: {  	_ = 	snop  }
0x90: {  	s2 =	sld [smem:$0x3FC9]  }
0x91: {  	s18 =	sld [smem:$0x3FC8]  }
0x92: {  	s4 =	sld [smem:$0x3FC7];
	(tm) =	ssettm $0x1  }
0x93: {  	s5 =	sld [smem:$0x3FFB];
	_ =	sdelay $0x3  }
0x94: {  	_ =	strace s5  }
0x95: {  	s5 =	sld [smem:$0x3FFC];
	_ =	sdelay $0x3  }
0x96: {  	_ =	strace s5  }
0x97: {  	s5 =	sld [smem:$0x3FFD];
	_ =	sdelay $0x3  }
0x98: {  	_ =	strace s5  }
0x99: {  	_ =	strace $0x8FFFFFFF  }
0x9a: {  	s19 =	sld [smem:$0x3FDB];
	_ =	sdelay $0x1  }
0x9b: {  	s6 =	simm.s32 $_scs_section_size  }
0x9c: {  	s7 =	simm.s32 $_size__tile_overlayer_lowered;
	s8 =	simm.s32 $_tile_overlayer_lowered  }
0x9d: {  	s22 =	simm.s32 $0x1BFF;
	s21 =	sshll.u32 s8, $0x1;
	s5 =	sadd.s32 s6, s19  }
0x9e: {  	s9 =	simm.s32 $0x0;
	s20 =	sshll.u32 s7, $0x1;
	s7 =	sadd.s32 s21, s5  }
0x9f: {  	[timem:s9], [sflag:s22] =	dma.local [hbm:s7], s20  }
0xa0: {  	_ =	swait.ge [sflag:s22], s20  }
0xa1: {  	s6 =	ssub.s32 $0x0, s20;
	[sflag:s22] =	ssyncset.done $0x0  }
0xa2: {  	[sflag:s22] =	ssyncadd.s32 s6;
	_ =	sdelay $0x1  }
0xa3: {  	s23 =	simm.s32 $0x1B8B  }
0xa4: {  	_ =	swait.ge [sflag:s23], $0x1  }
0xa5: {  	[sflag:s23] =	ssyncset.done $0x0  }
0xa6: {  	s25 =	simm.s32 $0x1B8E;
	s24 =	sld [smem:$0x3FFE];
	[sflag:s23] =	ssyncadd.s32 $0xFFFFFFFF  }
0xa7: {  	s26 =	simm.s32 $execute0_lowered;
	[smem:$0x3FD2] =	sst s25  }
0xa8: {  	s7 =	sshll.u32 s26, $0x1;
	_ =	strace $0x80000046;
	[dreg:$0x1] =	wrdreg $0xFFFFFFFF  }
0xa9: {  	s28 =	simm.s32 $_size_execute0_lowered;
	s5 =	sadd.s32 s5, s7;
	[dreg:$0x0] =	wrdreg $0x0  }
0xaa: {  	s7 =	sshll.u32 s28, $0x1;
	[dreg:$0x2] =	wrdreg s5  }
0xab: {  	[dreg:$0x3] =	wrdreg s7  }
0xac: {  	[dreg:$0x4] =	wrdreg $0xC0  }
0xad: {  	_ =	task [dreg:s9], $0x5FFFF  }
0xae: {  	[dreg:$0x1] =	wrdreg $0xFFFFFFFF  }
0xaf: {  	[dreg:$0x0] =	wrdreg $0x60  }
0xb0: {  	[dreg:$0x2] =	wrdreg s2  }
0xb1: {  	[dreg:$0x3] =	wrdreg s18  }
0xb2: {  	[dreg:$0x4] =	wrdreg s4  }
0xb3: {  	[dreg:$0x5] =	wrdreg s24  }
0xb4: {  	[dreg:$0x6] =	wrdreg $0x9  }
0xb5: {  	_ =	task.clear_ibuf [dreg:s9], $0x7FFFF;
	_ =	strace $0x90000046  }
0xb6: {  	s29 =	simm.s32 $0x9;
	_ =	strace $0x80000048  }
0xb7: {  	_ =	swait.ge [sflag:s29], $0x1  }
0xb8: {  	[sflag:s29] =	ssyncadd.s32 $0xFFFFFFFF  }
0xb9: {  	_ =	strace $0x90000048  }
0xba: {  	_ =	sfence  }
0xbb: {  	s30 =	sld [smem:$0x0];
	_ =	sdelay $0x2  }
0xbc: {  	s31 =	sshll.u32 s1, $0xD;
	s1 =	sshrl.u32 s1, $0x2  }
0xbd: {  	s3 =	sand.u32 $0x4000, s31;
	s1 =	sadd.s32 s1, s30  }
0xbe: {  	s0 =	sor.u32 s3, s0;
	s1 =	sshll.u32 s1, $0x11  }
0xbf: {  	s0 =	sor.u32 s1, s0  }
0xc0: {  	s0 =	sadd.s32 $0x8F2B, s0  }
0xc1: {  	[sflag:s0] =	ssyncadd.remote.s32 $0x1  }
0xc2: {  	_ =	sfence.sel $0xFFFF  }
0xc3: {  	[dreg:$0x0] =	wrdreg $0xFFFFFFFF;
	(pc) =	sbr.abs _section_cstart, $3  }
0xc4: {  	[dreg:$0x1] =	wrdreg $0xFFFFFFFF  }
0xc5: {  	_ =	task.clear_ibuf [dreg:s9], $0x2FFFF;
	_ =	strace $0x9FFFFFFF  }
0xc6: {  	(tm) =	ssettm $0x7FFFFFFF  }
0xc7: {  	_ =	shalt  }
tec
execute0_lowered:
.L_overlay_start_1:
0x0: {  	(tag) =	ssettag $0x1  }
0x1: {  	s1 =	rddreg [dreg:$0x0]  }
0x2: {  	s2 =	rddreg [dreg:$0x1]  }
0x3: {  	s4 =	rddreg [dreg:$0x2]  }
0x4: {  	s0 =	rddreg [dreg:$0x3]  }
0x5: {  	s3 =	srdreg.scid;
	s6 =	stileid.u32  }
0x6: {  	s5 =	simm.s32 $0x0;
	s17 =	simm.s32 $0x2000;
	s18 =	simm.s32 $0x4000  }
0x7: {  	s22 =	simm.s32 $0x1;
	s23 =	simm.s32 $0xC000;
	s28 =	simm.s32 $0x12100  }
0x8: {  	s29 =	simm.s32 $0x2;
	s3 =	sand.u32 $0x1, s3;
	s6 =	sshll.u32 s6, $0x1  }
0x9: {  	s30 =	simm.s32 $0x3;
	[smem:$0x7FF] =	sst s5;
	s6 =	sor.u32 s3, s6  }
0xa: {  	_ =	strace $0x80000047;
	s3 =	ssub.s32 $0x2, s3;
	s7 =	sshll.u32 s6, $0x6  }
0xb: {  	s24 =	sshrl.u32 s3, $0x1;
	s9 =	sshll.u32 s6, $0x10;
	s6 =	sshll.u32 s6, $0x13  }
0xc: {  	s0 =	sadd.s32 s7, s0;
	s3 =	ssub.s32 s3, s24;
	s25 =	sadd.s32 s1, s9  }
0xd: {  	s26 =	sadd.s32 s2, s9;
	s8 =	sadd.s32 s4, s9;
	s31 =	sor.u32 $0x400, s9  }
0xe: {  	s12 =	sor.u32 $0x4000, s6;
	s13 =	sor.u32 $0x6000, s6;
	[dreg:$0x5] =	wrdreg s25  }
0xf: {  	s14 =	sor.u32 $0x8000, s6;
	s24 =	simm.s32 $0xE000;
	[dreg:$0x6] =	wrdreg s26  }
0x10: {  	s9 =	sadd.s32 s1, s31;
	s10 =	sadd.s32 s2, s31;
	s11 =	sadd.s32 s4, s31  }
0x11: {  	v0 =	vimm.s32 $0x0;
	s15 =	sadd.s32 $0x600, s0;
	s16 =	smax.u32 s3, $0x1;
	s25 =	simm.s32 $0x10000  }
0x12: {  	v1 =	vimm.f32 $0.0e+00;
	v2 =	vimm.s32 $0x1;
	v3 =	vlaneseq.u32;
	s26 =	simm.s32 $0x12000;
	s0 =	simm.s32 $0x4;
	s3 =	simm.s32 $0x0  }
.LBB2_1:
0x13: {  	[tilespmem:$0x12000] =	vst v0  }
0x14: {  	[tilespmem:$0x12100] =	vst v1  }
0x15: {  	[tilespmem:$0x12010] =	vst v0  }
0x16: {  	[tilespmem:$0x12110] =	vst v1  }
0x17: {  	[tilespmem:$0x12020] =	vst v0  }
0x18: {  	[tilespmem:$0x12120] =	vst v1  }
0x19: {  	[tilespmem:$0x12030] =	vst v0  }
0x1a: {  	[tilespmem:$0x12130] =	vst v1  }
0x1b: {  	[tilespmem:$0x12040] =	vst v0  }
0x1c: {  	[tilespmem:$0x12140] =	vst v1  }
0x1d: {  	[tilespmem:$0x12050] =	vst v0  }
0x1e: {  	[tilespmem:$0x12150] =	vst v1  }
0x1f: {  	[tilespmem:$0x12060] =	vst v0  }
0x20: {  	[tilespmem:$0x12160] =	vst v1  }
0x21: {  	[tilespmem:$0x12070] =	vst v0  }
0x22: {  	[tilespmem:$0x12170] =	vst v1  }
0x23: {  	[tilespmem:$0x12080] =	vst v0  }
0x24: {  	[tilespmem:$0x12180] =	vst v1  }
0x25: {  	[tilespmem:$0x12090] =	vst v0  }
0x26: {  	[tilespmem:$0x12190] =	vst v1  }
0x27: {  	[tilespmem:$0x120A0] =	vst v0  }
0x28: {  	[tilespmem:$0x121A0] =	vst v1  }
0x29: {  	[tilespmem:$0x120B0] =	vst v0  }
0x2a: {  	[tilespmem:$0x121B0] =	vst v1  }
0x2b: {  	[tilespmem:$0x120C0] =	vst v0  }
0x2c: {  	[tilespmem:$0x121C0] =	vst v1  }
0x2d: {  	[tilespmem:$0x120D0] =	vst v0  }
0x2e: {  	[tilespmem:$0x121D0] =	vst v1  }
0x2f: {  	[tilespmem:$0x120E0] =	vst v0  }
0x30: {  	[tilespmem:$0x121E0] =	vst v1  }
0x31: {  	[tilespmem:$0x120F0] =	vst v0  }
0x32: {  	[tilespmem:$0x121F0] =	vst v1;
	s6 =	rddreg [dreg:$0x5]  }
0x33: {  	[tilespmem:s5], [sflag:$0x1] =	stream.linear.gather [hbm4b:s6+s5], $0x2000, $0x38;
	[tilespmem:$0x12400] =	vst v63  }
0x34: {  	s19 =	rddreg [dreg:$0x6]  }
0x35: {  	[tilespmem:s17], [sflag:$0x1] =	stream.linear.gather [hbm4b:s19+s5], $0x2000, $0x38;
	[tilespmem:$0x12400] =	vst v63  }
0x36: {  	_ = 	snop  }
0x37: {  	[tilespmem:s18], [sflag:$0x1] =	stream.linear.gather [hbm4b:s8+s5], $0x2000, $0x38;
	[tilespmem:$0x12400] =	vst v63  }
0x38: {  	s20 =	simm.s32 $0x6000  }
0x39: {  	[tilespmem:s20], [sflag:$0x2] =	stream.linear.gather [hbm4b:s9+s5], $0x2000, $0x38;
	[tilespmem:$0x12400] =	vst v63  }
0x3a: {  	s21 =	simm.s32 $0x8000  }
0x3b: {  	[tilespmem:s21], [sflag:$0x2] =	stream.linear.gather [hbm4b:s10+s5], $0x2000, $0x38;
	[tilespmem:$0x12400] =	vst v63  }
0x3c: {  	s31 =	simm.s32 $0xA000;
	s19 =	simm.s32 $0x0  }
0x3d: {  	[tilespmem:s31], [sflag:$0x2] =	stream.linear.gather [hbm4b:s11+s5], $0x2000, $0x38;
	[tilespmem:$0x12400] =	vst v63  }
.LBB2_2:
0x3e: {  	_ =	swait.ge [sflag:s22], $0x2000  }
0x3f: {  	[sflag:s22] =	ssyncset.done $0x0  }
0x40: {  	[sflag:s22] =	ssyncadd.s32 $0xFFFFE000  }
0x41: {  	_ =	swait.ge [sflag:s22], $0x2000  }
0x42: {  	s20 =	smul.u32 $0x6000, s19;
	[sflag:s22] =	ssyncset.done $0x0  }
0x43: {  	[sflag:s22] =	ssyncadd.s32 $0xFFFFE000  }
0x44: {  	s6 =	sadd.s32 s20, s12;
	_ =	swait.ge [sflag:s22], $0x2000  }
0x45: {  	s6 =	sshrl.u32 s6, $0x3;
	[sflag:s22] =	ssyncset.done $0x0  }
0x46: {  	s7 =	sadd.s32 s1, s6;
	[sflag:s22] =	ssyncadd.s32 $0xFFFFE000  }
0x47: {  	[tilespmem:s23], [sflag:$0x3] =	stream.linear.gather [hbm4b:s7+s5], $0x2000, $0x38;
	[tilespmem:$0x12400] =	vst v63  }
0x48: {  	s21 =	sadd.s32 s2, s6  }
0x49: {  	[tilespmem:s24], [sflag:$0x3] =	stream.linear.gather [hbm4b:s21+s5], $0x2000, $0x38;
	[tilespmem:$0x12400] =	vst v63  }
0x4a: {  	s6 =	sadd.s32 s4, s6;
	s7 =	simm.s32 $0x80  }
0x4b: {  	[tilespmem:s25], [sflag:$0x3] =	stream.linear.gather [hbm4b:s6+s5], $0x2000, $0x38;
	[tilespmem:$0x12400] =	vst v63  }
0x4c: {  	v5 =	vld [tilespmem:s7+$0x70]  }
0x4d: {  	v14 =	vld [tilespmem:s7+$0xFFFFFF90]  }
0x4e: {  	v15 =	vld [tilespmem:s7+$0xFFFFFFA0]  }
0x4f: {  	v16 =	vld [tilespmem:s7+$0xFFFFFFB0]  }
0x50: {  	v17 =	vld [tilespmem:s7+$0xFFFFFFC0]  }
0x51: {  	v13 =	vld [tilespmem:s7+$0xFFFFFFD0]  }
0x52: {  	v12 =	vld [tilespmem:s7+$0xFFFFFFE0]  }
0x53: {  	s21 =	simm.s32 $0x2080;
	v11 =	vld [tilespmem:s7+$0xFFFFFFF0]  }
0x54: {  	s31 =	simm.s32 $0x4080;
	v18 =	vld [tilespmem:s21+$0x70]  }
0x55: {  	v19 =	vld [tilespmem:s31+$0x70]  }
0x56: {  	v10 =	vld [tilespmem:s7+$0x0]  }
0x57: {  	v9 =	vld [tilespmem:s7+$0x10]  }
0x58: {  	v8 =	vld [tilespmem:s7+$0x20]  }
0x59: {  	v7 =	vld [tilespmem:s7+$0x30]  }
0x5a: {  	v6 =	vld [tilespmem:s7+$0x40]  }
0x5b: {  	v63 =	vld [tilespmem:s7+$0xFFFFFF80]  }
0x5c: {  	v56 =	vld [tilespmem:s21+$0xFFFFFF80]  }
0x5d: {  	v57 =	vld [tilespmem:s31+$0xFFFFFF80]  }
0x5e: {  	v21 =	vld [tilespmem:s21+$0xFFFFFF90]  }
0x5f: {  	v22 =	vld [tilespmem:s31+$0xFFFFFF90]  }
0x60: {  	v23 =	vld [tilespmem:s21+$0xFFFFFFA0]  }
0x61: {  	v24 =	vld [tilespmem:s31+$0xFFFFFFA0]  }
0x62: {  	v25 =	vld [tilespmem:s21+$0xFFFFFFB0]  }
0x63: {  	v26 =	vld [tilespmem:s31+$0xFFFFFFB0]  }
0x64: {  	v27 =	vld [tilespmem:s21+$0xFFFFFFC0]  }
0x65: {  	v28 =	vld [tilespmem:s31+$0xFFFFFFC0]  }
0x66: {  	v29 =	vld [tilespmem:s21+$0xFFFFFFD0]  }
0x67: {  	v30 =	vld [tilespmem:s31+$0xFFFFFFD0]  }
0x68: {  	v31 =	vld [tilespmem:s21+$0xFFFFFFE0]  }
0x69: {  	v32 =	vld [tilespmem:s31+$0xFFFFFFE0]  }
0x6a: {  	v33 =	vld [tilespmem:s21+$0xFFFFFFF0]  }
0x6b: {  	v34 =	vld [tilespmem:s31+$0xFFFFFFF0]  }
0x6c: {  	v36 =	vld [tilespmem:s21+$0x0]  }
0x6d: {  	v37 =	vld [tilespmem:s31+$0x0];
	v4 =	vmul.f32 $1.500000000e+01, v5;
	v35 =	vmul.f32 $1.500000000e+01, v63  }
0x6e: {  	v38 =	vld [tilespmem:s21+$0x10];
	v39 =	vmul.f32 $1.500000000e+01, v14;
	v41 =	vmul.f32 $1.500000000e+01, v15  }
0x6f: {  	v40 =	vld [tilespmem:s31+$0x10];
	v42 =	vmul.f32 $1.500000000e+01, v16;
	v44 =	vmul.f32 $1.500000000e+01, v17  }
0x70: {  	v43 =	vld [tilespmem:s21+$0x20];
	v47 =	vmul.f32 $1.500000000e+01, v13;
	v49 =	vmul.f32 $1.500000000e+01, v12  }
0x71: {  	v45 =	vld [tilespmem:s31+$0x20];
	vm0 =	veq.s32 v18, v19;
	v62 =	vmul.f32 $1.500000000e+01, v10;
	v4 =	vtrunc.f32 v4  }
0x72: {  	v46 =	vld [tilespmem:s21+$0x30];
	vm13 =	veq.s32 v56, v57;
	v35 =	vtrunc.f32 v35;
	v39 =	vtrunc.f32 v39  }
0x73: {  	v48 =	vld [tilespmem:s31+$0x30];
	vm14 =	veq.s32 v21, v22;
	v42 =	vtrunc.f32 v42;
	v4 =	vcvt.f32.s32 v4  }
0x74: {  	v50 =	vld [tilespmem:s21+$0x40];
	vm15 =	veq.s32 v23, v24;
	v44 =	vtrunc.f32 v44;
	v35 =	vcvt.f32.s32 v35  }
0x75: {  	v52 =	vld [tilespmem:s21+$0x50];
	v60 =	vtrunc.f32 v49;
	v39 =	vcvt.f32.s32 v39;
	v4 =	vshll.u32 v4, $0x4  }
0x76: {  	v19 =	vld [tilespmem:s31+$0x40];
	v42 =	vcvt.f32.s32 v42;
	v35 =	vshll.u32 v35, $0x4;
	v20 =	vor.u32 v3, v4  }
0x77: {  	v23 =	vld [tilespmem:s21+$0x60];
	v44 =	vcvt.f32.s32 v44;
	v39 =	vshll.u32 v39, $0x4;
	v35 =	vor.u32 v3, v35  }
0x78: {  	v49 =	vld [tilespmem:s31+$0x50];
	v21 =	vcvt.f32.s32 v60;
	v42 =	vshll.u32 v42, $0x4;
	v39 =	vor.u32 v3, v39  }
0x79: {  	vm4 =	veq.s32 v25, v26;
	v56 =	vshll.u32 v44, $0x4;
	v44 =	vld [tilespmem:s31+$0x60];
	v42 =	vor.u32 v3, v42  }
0x7a: {  	v18 =	vsel vm0, $0x10001, v2;
	v21 =	vshll.u32 v21, $0x4;
	v4 =	vld [tilespmem:s7+$0x50];
	v24 =	vor.u32 v3, v56  }
0x7b: {  	v59 =	vsel vm13, $0x10001, v2;
	v41 =	vtrunc.f32 v41;
	v21 =	vor.u32 v3, v21;
	[tilespmem:v20+s26+$0x0] =	vst.idx.add.s32.msk $0xffff, v18  }
0x7c: {  	vm5 =	veq.s32 v27, v28;
	v54 =	vsel vm14, $0x10001, v2;
	v41 =	vcvt.f32.s32 v41;
	[tilespmem:v35+s26+$0x0] =	vst.idx.add.s32.msk $0xffff, v59  }
0x7d: {  	vm7 =	veq.s32 v31, v32;
	v26 =	vsel vm4, $0x10001, v2;
	v58 =	vtrunc.f32 v47;
	[tilespmem:v39+s26+$0x0] =	vst.idx.add.s32.msk $0xffff, v54  }
0x7e: {  	v47 =	vtrunc.f32 v62;
	v62 =	vsel vm5, $0x10001, v2;
	v41 =	vshll.u32 v41, $0x4;
	[tilespmem:v42+s26+$0x0] =	vst.idx.add.s32.msk $0xffff, v26  }
0x7f: {  	v31 =	vsel vm7, $0x10001, v2;
	v53 =	vor.u32 v3, v41;
	[tilespmem:v24+s26+$0x0] =	vst.idx.add.s32.msk $0xffff, v62  }
0x80: {  	v51 =	vmul.f32 $1.500000000e+01, v11;
	[tilespmem:v21+s26+$0x0] =	vst.idx.add.s32.msk $0xffff, v31  }
0x81: {  	[tilespmem:v20+s28+$0x0] =	vst.idx.add.f32.msk $0xffff, v5  }
0x82: {  	v61 =	vtrunc.f32 v51;
	[tilespmem:v35+s28+$0x0] =	vst.idx.add.f32.msk $0xffff, v63;
	v20 =	vcvt.f32.s32 v58  }
0x83: {  	v57 =	vmul.f32 $1.500000000e+01, v7;
	v60 =	vcvt.f32.s32 v61;
	[tilespmem:v39+s28+$0x0] =	vst.idx.add.f32.msk $0xffff, v14;
	v58 =	vsel vm15, $0x10001, v2  }
0x84: {  	v63 =	vmul.f32 $1.500000000e+01, v9;
	[tilespmem:v53+s26+$0x0] =	vst.idx.add.s32.msk $0xffff, v58;
	v20 =	vshll.u32 v20, $0x4  }
0x85: {  	v14 =	vtrunc.f32 v57;
	[tilespmem:v53+s28+$0x0] =	vst.idx.add.f32.msk $0xffff, v15;
	v15 =	vshll.u32 v60, $0x4;
	v20 =	vor.u32 v3, v20  }
0x86: {  	v55 =	vmul.f32 $1.500000000e+01, v8;
	v5 =	vld [tilespmem:s7+$0x60];
	v41 =	vcvt.f32.s32 v14;
	v15 =	vor.u32 v3, v15  }
0x87: {  	vm6 =	veq.s32 v29, v30;
	[tilespmem:v42+s28+$0x0] =	vst.idx.add.f32.msk $0xffff, v16;
	v18 =	vtrunc.f32 v63;
	v63 =	vcvt.f32.s32 v47  }
0x88: {  	vm8 =	veq.s32 v33, v34;
	vm9 =	veq.s32 v36, v37;
	[tilespmem:v21+s28+$0x0] =	vst.idx.add.f32.msk $0xffff, v12;
	v12 =	vshll.u32 v41, $0x4  }
0x89: {  	v28 =	vsel vm6, $0x10001, v2;
	[tilespmem:v24+s28+$0x0] =	vst.idx.add.f32.msk $0xffff, v17;
	v16 =	vshll.u32 v63, $0x4;
	v12 =	vor.u32 v3, v12  }
0x8a: {  	v39 =	vsel vm8, $0x10001, v2;
	v29 =	vcvt.f32.s32 v18;
	v16 =	vor.u32 v3, v16;
	[tilespmem:v20+s26+$0x0] =	vst.idx.add.s32.msk $0xffff, v28  }
0x8b: {  	vm12 =	veq.s32 v46, v48;
	v61 =	vmul.f32 $1.500000000e+01, v6;
	v59 =	vtrunc.f32 v55;
	[tilespmem:v15+s26+$0x0] =	vst.idx.add.s32.msk $0xffff, v39  }
0x8c: {  	v30 =	vmul.f32 $1.500000000e+01, v4;
	v32 =	vcvt.f32.s32 v59;
	v17 =	vshll.u32 v29, $0x4;
	[tilespmem:v20+s28+$0x0] =	vst.idx.add.f32.msk $0xffff, v13  }
0x8d: {  	v35 =	vtrunc.f32 v61;
	v59 =	vsel vm12, $0x10001, v2;
	v17 =	vor.u32 v3, v17;
	[tilespmem:v15+s28+$0x0] =	vst.idx.add.f32.msk $0xffff, v11  }
0x8e: {  	v51 =	vcvt.f32.s32 v35;
	v47 =	vsel vm9, $0x10001, v2;
	v13 =	vshll.u32 v32, $0x4;
	[tilespmem:v12+s26+$0x0] =	vst.idx.add.s32.msk $0xffff, v59  }
0x8f: {  	v42 =	vtrunc.f32 v30;
	v53 =	vmul.f32 $1.500000000e+01, v5;
	v13 =	vor.u32 v3, v13;
	[tilespmem:v16+s26+$0x0] =	vst.idx.add.s32.msk $0xffff, v47  }
0x90: {  	vm10 =	veq.s32 v38, v40;
	v55 =	vcvt.f32.s32 v42;
	v11 =	vshll.u32 v51, $0x4;
	[tilespmem:v12+s28+$0x0] =	vst.idx.add.f32.msk $0xffff, v7  }
0x91: {  	v54 =	vsel vm10, $0x10001, v2;
	v56 =	vtrunc.f32 v53;
	v11 =	vor.u32 v3, v11;
	[tilespmem:v16+s28+$0x0] =	vst.idx.add.f32.msk $0xffff, v10  }
0x92: {  	vm11 =	veq.s32 v43, v45;
	v58 =	vcvt.f32.s32 v56;
	[tilespmem:v17+s26+$0x0] =	vst.idx.add.s32.msk $0xffff, v54;
	v10 =	vshll.u32 v55, $0x4  }
0x93: {  	v57 =	vsel vm11, $0x10001, v2;
	[tilespmem:v17+s28+$0x0] =	vst.idx.add.f32.msk $0xffff, v9;
	v10 =	vor.u32 v3, v10  }
0x94: {  	vm13 =	veq.s32 v50, v19;
	v60 =	vshll.u32 v58, $0x4;
	[tilespmem:v13+s26+$0x0] =	vst.idx.add.s32.msk $0xffff, v57  }
0x95: {  	v61 =	vsel vm13, $0x10001, v2;
	[tilespmem:v13+s28+$0x0] =	vst.idx.add.f32.msk $0xffff, v8;
	v8 =	vor.u32 v3, v60  }
0x96: {  	vm14 =	veq.s32 v52, v49;
	[tilespmem:v11+s26+$0x0] =	vst.idx.add.s32.msk $0xffff, v61  }
0x97: {  	v62 =	vsel vm14, $0x10001, v2;
	[tilespmem:v11+s28+$0x0] =	vst.idx.add.f32.msk $0xffff, v6  }
0x98: {  	vm15 =	veq.s32 v23, v44;
	[tilespmem:v10+s26+$0x0] =	vst.idx.add.s32.msk $0xffff, v62  }
0x99: {  	v63 =	vsel vm15, $0x10001, v2;
	[tilespmem:v10+s28+$0x0] =	vst.idx.add.f32.msk $0xffff, v4  }
0x9a: {  	[tilespmem:v8+s26+$0x0] =	vst.idx.add.s32.msk $0xffff, v63  }
0x9b: {  	s6 =	simm.s32 $0x0;
	s7 =	simm.s32 $0x180;
	[tilespmem:v8+s28+$0x0] =	vst.idx.add.f32.msk $0xffff, v5  }
.LBB2_3:
0x9c: {  	v17 =	vld [tilespmem:s7+$0x70]  }
0x9d: {  	s6 =	sadd.s32 $0x100, s6;
	v10 =	vld [tilespmem:s7+$0xFFFFFF90]  }
0x9e: {  	p0 =	slt.u32 s6, $0x1F00;
	v9 =	vld [tilespmem:s7+$0xFFFFFFA0]  }
0x9f: {  	v8 =	vld [tilespmem:s7+$0xFFFFFFB0]  }
0xa0: {  	v7 =	vld [tilespmem:s7+$0xFFFFFFC0]  }
0xa1: {  	v5 =	vld [tilespmem:s7+$0xFFFFFFD0];
	v11 =	vmul.f32 $1.500000000e+01, v17  }
0xa2: {  	v12 =	vmul.f32 $1.500000000e+01, v10;
	v6 =	vld [tilespmem:s7+$0xFFFFFFE0]  }
0xa3: {  	s21 =	sadd.s32 $0x100, s21;
	v13 =	vmul.f32 $1.500000000e+01, v9;
	v4 =	vld [tilespmem:s7+$0xFFFFFFF0];
	v11 =	vtrunc.f32 v11  }
0xa4: {  	s31 =	sadd.s32 $0x100, s31;
	v14 =	vmul.f32 $1.500000000e+01, v8;
	v16 =	vld [tilespmem:s21+$0x70];
	v15 =	vcvt.f32.s32 v11  }
0xa5: {  	v18 =	vtrunc.f32 v12;
	v19 =	vmul.f32 $1.500000000e+01, v7;
	v20 =	vld [tilespmem:s31+$0x70]  }
0xa6: {  	v21 =	vtrunc.f32 v13;
	v22 =	vmul.f32 $1.500000000e+01, v5;
	v11 =	vld [tilespmem:s7+$0x0];
	v13 =	vshll.u32 v15, $0x4  }
0xa7: {  	v23 =	vtrunc.f32 v14;
	v14 =	vmul.f32 $1.500000000e+01, v6;
	v12 =	vld [tilespmem:s7+$0x10];
	v24 =	vor.u32 v3, v13  }
0xa8: {  	v25 =	vtrunc.f32 v19;
	v15 =	vmul.f32 $1.500000000e+01, v4;
	v13 =	vld [tilespmem:s7+$0x20]  }
0xa9: {  	v22 =	vtrunc.f32 v22;
	v26 =	vtrunc.f32 v14;
	v14 =	vld [tilespmem:s7+$0x30]  }
0xaa: {  	v18 =	vcvt.f32.s32 v18;
	v27 =	vtrunc.f32 v15;
	v15 =	vld [tilespmem:s7+$0x40];
	vm0 =	veq.s32 v16, v20  }
0xab: {  	v19 =	vcvt.f32.s32 v21;
	v20 =	vmul.f32 $1.500000000e+01, v11;
	v16 =	vld [tilespmem:s7+$0x50];
	v21 =	vsel vm0, $0x10001, v2  }
0xac: {  	v18 =	vshll.u32 v18, $0x4;
	v23 =	vcvt.f32.s32 v23;
	v28 =	vmul.f32 $1.500000000e+01, v12;
	[tilespmem:v24+s26+$0x0] =	vst.idx.add.s32.msk $0xffff, v21  }
0xad: {  	v19 =	vshll.u32 v19, $0x4;
	v29 =	vtrunc.f32 v20;
	v30 =	vmul.f32 $1.500000000e+01, v13;
	[tilespmem:v24+s28+$0x0] =	vst.idx.add.f32.msk $0xffff, v17  }
0xae: {  	v23 =	vshll.u32 v23, $0x4;
	v24 =	vtrunc.f32 v28;
	v28 =	vmul.f32 $1.500000000e+01, v14;
	v17 =	vld [tilespmem:s7+$0x60]  }
0xaf: {  	v20 =	vor.u32 v3, v18;
	v21 =	vld [tilespmem:s7+$0xFFFFFF80];
	v30 =	vtrunc.f32 v30;
	v31 =	vmul.f32 $1.500000000e+01, v15  }
0xb0: {  	v18 =	vor.u32 v3, v19;
	v32 =	vld [tilespmem:s21+$0xFFFFFF80];
	v28 =	vtrunc.f32 v28;
	v33 =	vmul.f32 $1.500000000e+01, v16  }
0xb1: {  	v19 =	vor.u32 v3, v23;
	v23 =	vcvt.f32.s32 v25;
	v34 =	vld [tilespmem:s31+$0xFFFFFF80];
	v25 =	vtrunc.f32 v31  }
0xb2: {  	v22 =	vcvt.f32.s32 v22;
	v31 =	vld [tilespmem:s21+$0xFFFFFF90];
	v33 =	vtrunc.f32 v33  }
0xb3: {  	v26 =	vcvt.f32.s32 v26;
	v23 =	vshll.u32 v23, $0x4;
	v35 =	vld [tilespmem:s31+$0xFFFFFF90];
	v36 =	vmul.f32 $1.500000000e+01, v17  }
0xb4: {  	v22 =	vshll.u32 v22, $0x4;
	v27 =	vcvt.f32.s32 v27;
	v37 =	vmul.f32 $1.500000000e+01, v21;
	v38 =	vld [tilespmem:s21+$0xFFFFFFA0]  }
0xb5: {  	v26 =	vshll.u32 v26, $0x4;
	v29 =	vcvt.f32.s32 v29;
	v39 =	vld [tilespmem:s31+$0xFFFFFFA0];
	v36 =	vtrunc.f32 v36  }
0xb6: {  	v27 =	vshll.u32 v27, $0x4;
	v24 =	vcvt.f32.s32 v24;
	v37 =	vtrunc.f32 v37;
	v40 =	vld [tilespmem:s21+$0xFFFFFFB0]  }
0xb7: {  	v29 =	vshll.u32 v29, $0x4;
	v30 =	vcvt.f32.s32 v30;
	v37 =	vcvt.f32.s32 v37;
	v41 =	vld [tilespmem:s31+$0xFFFFFFB0]  }
0xb8: {  	v24 =	vshll.u32 v24, $0x4;
	v28 =	vcvt.f32.s32 v28;
	v25 =	vcvt.f32.s32 v25;
	v42 =	vld [tilespmem:s21+$0xFFFFFFC0]  }
0xb9: {  	v33 =	vcvt.f32.s32 v33;
	v36 =	vcvt.f32.s32 v36;
	v37 =	vshll.u32 v37, $0x4;
	v43 =	vld [tilespmem:s31+$0xFFFFFFC0]  }
0xba: {  	v30 =	vshll.u32 v30, $0x4;
	v28 =	vshll.u32 v28, $0x4;
	v25 =	vshll.u32 v25, $0x4;
	v44 =	vld [tilespmem:s21+$0xFFFFFFD0]  }
0xbb: {  	v33 =	vshll.u32 v33, $0x4;
	vm1 =	veq.s32 v32, v34;
	v34 =	vshll.u32 v36, $0x4;
	v32 =	vld [tilespmem:s31+$0xFFFFFFD0]  }
0xbc: {  	vm2 =	veq.s32 v31, v35;
	vm3 =	veq.s32 v38, v39;
	vm0 =	veq.s32 v40, v41;
	v31 =	vld [tilespmem:s21+$0xFFFFFFE0]  }
0xbd: {  	v22 =	vor.u32 v3, v22;
	v23 =	vor.u32 v3, v23;
	v35 =	vor.u32 v3, v37;
	v36 =	vld [tilespmem:s31+$0xFFFFFFE0]  }
0xbe: {  	v26 =	vor.u32 v3, v26;
	v27 =	vor.u32 v3, v27;
	vm4 =	veq.s32 v42, v43;
	v37 =	vld [tilespmem:s21+$0xFFFFFFF0]  }
0xbf: {  	v29 =	vor.u32 v3, v29;
	v24 =	vor.u32 v3, v24;
	v30 =	vor.u32 v3, v30;
	v38 =	vld [tilespmem:s31+$0xFFFFFFF0]  }
0xc0: {  	v28 =	vor.u32 v3, v28;
	v25 =	vor.u32 v3, v25;
	vm5 =	veq.s32 v44, v32;
	v32 =	vld [tilespmem:s21+$0x0]  }
0xc1: {  	v33 =	vor.u32 v3, v33;
	v34 =	vor.u32 v3, v34;
	v39 =	vsel vm1, $0x10001, v2;
	v40 =	vld [tilespmem:s31+$0x0]  }
0xc2: {  	v41 =	vsel vm2, $0x10001, v2;
	v42 =	vsel vm3, $0x10001, v2;
	vm1 =	veq.s32 v31, v36;
	v31 =	vld [tilespmem:s21+$0x10]  }
0xc3: {  	v43 =	vsel vm4, $0x10001, v2;
	v44 =	vsel vm5, $0x10001, v2;
	v36 =	vsel vm0, $0x10001, v2;
	v45 =	vld [tilespmem:s31+$0x10]  }
0xc4: {  	v46 =	vsel vm1, $0x10001, v2;
	vm0 =	veq.s32 v37, v38;
	v37 =	vld [tilespmem:s21+$0x20]  }
0xc5: {  	v38 =	vsel vm0, $0x10001, v2;
	v47 =	vld [tilespmem:s31+$0x20]  }
0xc6: {  	vm0 =	veq.s32 v32, v40;
	v32 =	vld [tilespmem:s21+$0x30]  }
0xc7: {  	v40 =	vsel vm0, $0x10001, v2;
	v48 =	vld [tilespmem:s31+$0x30]  }
0xc8: {  	vm0 =	veq.s32 v31, v45;
	v31 =	vld [tilespmem:s21+$0x40]  }
0xc9: {  	v45 =	vsel vm0, $0x10001, v2;
	v49 =	vld [tilespmem:s31+$0x40]  }
0xca: {  	vm0 =	veq.s32 v37, v47;
	v37 =	vld [tilespmem:s21+$0x50]  }
0xcb: {  	v47 =	vsel vm0, $0x10001, v2;
	v50 =	vld [tilespmem:s31+$0x50]  }
0xcc: {  	vm0 =	veq.s32 v32, v48;
	v32 =	vld [tilespmem:s21+$0x60]  }
0xcd: {  	v48 =	vsel vm0, $0x10001, v2;
	v51 =	vld [tilespmem:s31+$0x60]  }
0xce: {  	[tilespmem:v35+s26+$0x0] =	vst.idx.add.s32.msk $0xffff, v39;
	vm0 =	veq.s32 v31, v49  }
0xcf: {  	[tilespmem:v35+s28+$0x0] =	vst.idx.add.f32.msk $0xffff, v21;
	v21 =	vsel vm0, $0x10001, v2  }
0xd0: {  	[tilespmem:v20+s26+$0x0] =	vst.idx.add.s32.msk $0xffff, v41;
	vm0 =	veq.s32 v37, v50  }
0xd1: {  	[tilespmem:v20+s28+$0x0] =	vst.idx.add.f32.msk $0xffff, v10;
	v10 =	vsel vm0, $0x10001, v2  }
0xd2: {  	[tilespmem:v18+s26+$0x0] =	vst.idx.add.s32.msk $0xffff, v42;
	vm0 =	veq.s32 v32, v51  }
0xd3: {  	[tilespmem:v18+s28+$0x0] =	vst.idx.add.f32.msk $0xffff, v9;
	v9 =	vsel vm0, $0x10001, v2  }
0xd4: {  	[tilespmem:v19+s26+$0x0] =	vst.idx.add.s32.msk $0xffff, v36  }
0xd5: {  	[tilespmem:v19+s28+$0x0] =	vst.idx.add.f32.msk $0xffff, v8  }
0xd6: {  	[tilespmem:v23+s26+$0x0] =	vst.idx.add.s32.msk $0xffff, v43  }
0xd7: {  	[tilespmem:v23+s28+$0x0] =	vst.idx.add.f32.msk $0xffff, v7  }
0xd8: {  	[tilespmem:v22+s26+$0x0] =	vst.idx.add.s32.msk $0xffff, v44  }
0xd9: {  	[tilespmem:v22+s28+$0x0] =	vst.idx.add.f32.msk $0xffff, v5  }
0xda: {  	[tilespmem:v26+s26+$0x0] =	vst.idx.add.s32.msk $0xffff, v46  }
0xdb: {  	[tilespmem:v26+s28+$0x0] =	vst.idx.add.f32.msk $0xffff, v6  }
0xdc: {  	[tilespmem:v27+s26+$0x0] =	vst.idx.add.s32.msk $0xffff, v38  }
0xdd: {  	[tilespmem:v27+s28+$0x0] =	vst.idx.add.f32.msk $0xffff, v4  }
0xde: {  	[tilespmem:v29+s26+$0x0] =	vst.idx.add.s32.msk $0xffff, v40  }
0xdf: {  	[tilespmem:v29+s28+$0x0] =	vst.idx.add.f32.msk $0xffff, v11  }
0xe0: {  	[tilespmem:v24+s26+$0x0] =	vst.idx.add.s32.msk $0xffff, v45  }
0xe1: {  	[tilespmem:v24+s28+$0x0] =	vst.idx.add.f32.msk $0xffff, v12  }
0xe2: {  	[tilespmem:v30+s26+$0x0] =	vst.idx.add.s32.msk $0xffff, v47  }
0xe3: {  	[tilespmem:v30+s28+$0x0] =	vst.idx.add.f32.msk $0xffff, v13  }
0xe4: {  	[tilespmem:v28+s26+$0x0] =	vst.idx.add.s32.msk $0xffff, v48  }
0xe5: {  	[tilespmem:v28+s28+$0x0] =	vst.idx.add.f32.msk $0xffff, v14  }
0xe6: {  	[tilespmem:v25+s26+$0x0] =	vst.idx.add.s32.msk $0xffff, v21  }
.Ltmp0:
0xe7: {  	[tilespmem:v25+s28+$0x0] =	vst.idx.add.f32.msk $0xffff, v15;
	(pc) =	sbr.rel @p0 .LBB2_3-.Ltmp0, $4  }
0xe8: {  	[tilespmem:v33+s26+$0x0] =	vst.idx.add.s32.msk $0xffff, v10  }
0xe9: {  	[tilespmem:v33+s28+$0x0] =	vst.idx.add.f32.msk $0xffff, v16  }
0xea: {  	[tilespmem:v34+s26+$0x0] =	vst.idx.add.s32.msk $0xffff, v9  }
0xeb: {  	s7 =	sadd.s32 $0x100, s7;
	[tilespmem:v34+s28+$0x0] =	vst.idx.add.f32.msk $0xffff, v17  }
0xec: {  	_ =	swait.ge [sflag:s29], $0x2000  }
0xed: {  	[sflag:s29] =	ssyncset.done $0x0  }
0xee: {  	[sflag:s29] =	ssyncadd.s32 $0xFFFFE000  }
0xef: {  	_ =	swait.ge [sflag:s29], $0x2000  }
0xf0: {  	[sflag:s29] =	ssyncset.done $0x0  }
0xf1: {  	[sflag:s29] =	ssyncadd.s32 $0xFFFFE000  }
0xf2: {  	s6 =	sadd.s32 s20, s13;
	_ =	swait.ge [sflag:s29], $0x2000  }
0xf3: {  	s6 =	sshrl.u32 s6, $0x3;
	[sflag:s29] =	ssyncset.done $0x0  }
0xf4: {  	s7 =	sadd.s32 s1, s6;
	[sflag:s29] =	ssyncadd.s32 $0xFFFFE000  }
0xf5: {  	[tilespmem:s5], [sflag:$0x1] =	stream.linear.gather [hbm4b:s7+s5], $0x2000, $0x38;
	[tilespmem:$0x12400] =	vst v63  }
0xf6: {  	s21 =	sadd.s32 s2, s6  }
0xf7: {  	[tilespmem:s17], [sflag:$0x1] =	stream.linear.gather [hbm4b:s21+s5], $0x2000, $0x38;
	[tilespmem:$0x12400] =	vst v63  }
0xf8: {  	s6 =	sadd.s32 s4, s6;
	s7 =	simm.s32 $0x6080  }
0xf9: {  	[tilespmem:s18], [sflag:$0x1] =	stream.linear.gather [hbm4b:s6+s5], $0x2000, $0x38;
	[tilespmem:$0x12400] =	vst v63  }
0xfa: {  	v5 =	vld [tilespmem:s7+$0x70]  }
0xfb: {  	v14 =	vld [tilespmem:s7+$0xFFFFFF90]  }
0xfc: {  	v15 =	vld [tilespmem:s7+$0xFFFFFFA0]  }
0xfd: {  	v16 =	vld [tilespmem:s7+$0xFFFFFFB0]  }
0xfe: {  	v17 =	vld [tilespmem:s7+$0xFFFFFFC0]  }
0xff: {  	v13 =	vld [tilespmem:s7+$0xFFFFFFD0]  }
0x100: {  	v12 =	vld [tilespmem:s7+$0xFFFFFFE0]  }
0x101: {  	s21 =	simm.s32 $0x8080;
	v11 =	vld [tilespmem:s7+$0xFFFFFFF0]  }
0x102: {  	s31 =	simm.s32 $0xA080;
	v18 =	vld [tilespmem:s21+$0x70]  }
0x103: {  	v19 =	vld [tilespmem:s31+$0x70]  }
0x104: {  	v10 =	vld [tilespmem:s7+$0x0]  }
0x105: {  	v9 =	vld [tilespmem:s7+$0x10]  }
0x106: {  	v8 =	vld [tilespmem:s7+$0x20]  }
0x107: {  	v7 =	vld [tilespmem:s7+$0x30]  }
0x108: {  	v6 =	vld [tilespmem:s7+$0x40]  }
0x109: {  	v63 =	vld [tilespmem:s7+$0xFFFFFF80]  }
0x10a: {  	v56 =	vld [tilespmem:s21+$0xFFFFFF80]  }
0x10b: {  	v57 =	vld [tilespmem:s31+$0xFFFFFF80]  }
0x10c: {  	v21 =	vld [tilespmem:s21+$0xFFFFFF90]  }
0x10d: {  	v22 =	vld [tilespmem:s31+$0xFFFFFF90]  }
0x10e: {  	v23 =	vld [tilespmem:s21+$0xFFFFFFA0]  }
0x10f: {  	v24 =	vld [tilespmem:s31+$0xFFFFFFA0]  }
0x110: {  	v25 =	vld [tilespmem:s21+$0xFFFFFFB0]  }
0x111: {  	v26 =	vld [tilespmem:s31+$0xFFFFFFB0]  }
0x112: {  	v27 =	vld [tilespmem:s21+$0xFFFFFFC0]  }
0x113: {  	v28 =	vld [tilespmem:s31+$0xFFFFFFC0]  }
0x114: {  	v29 =	vld [tilespmem:s21+$0xFFFFFFD0]  }
0x115: {  	v30 =	vld [tilespmem:s31+$0xFFFFFFD0]  }
0x116: {  	v31 =	vld [tilespmem:s21+$0xFFFFFFE0]  }
0x117: {  	v32 =	vld [tilespmem:s31+$0xFFFFFFE0]  }
0x118: {  	v33 =	vld [tilespmem:s21+$0xFFFFFFF0]  }
0x119: {  	v34 =	vld [tilespmem:s31+$0xFFFFFFF0]  }
0x11a: {  	v36 =	vld [tilespmem:s21+$0x0]  }
0x11b: {  	v37 =	vld [tilespmem:s31+$0x0];
	v4 =	vmul.f32 $1.500000000e+01, v5;
	v35 =	vmul.f32 $1.500000000e+01, v63  }
0x11c: {  	v38 =	vld [tilespmem:s21+$0x10];
	v39 =	vmul.f32 $1.500000000e+01, v14;
	v41 =	vmul.f32 $1.500000000e+01, v15  }
0x11d: {  	v40 =	vld [tilespmem:s31+$0x10];
	v42 =	vmul.f32 $1.500000000e+01, v16;
	v44 =	vmul.f32 $1.500000000e+01, v17  }
0x11e: {  	v43 =	vld [tilespmem:s21+$0x20];
	v47 =	vmul.f32 $1.500000000e+01, v13;
	v49 =	vmul.f32 $1.500000000e+01, v12  }
0x11f: {  	v45 =	vld [tilespmem:s31+$0x20];
	vm0 =	veq.s32 v18, v19;
	v62 =	vmul.f32 $1.500000000e+01, v10;
	v4 =	vtrunc.f32 v4  }
0x120: {  	v46 =	vld [tilespmem:s21+$0x30];
	vm13 =	veq.s32 v56, v57;
	v35 =	vtrunc.f32 v35;
	v39 =	vtrunc.f32 v39  }
0x121: {  	v48 =	vld [tilespmem:s31+$0x30];
	vm14 =	veq.s32 v21, v22;
	v42 =	vtrunc.f32 v42;
	v4 =	vcvt.f32.s32 v4  }
0x122: {  	v50 =	vld [tilespmem:s21+$0x40];
	vm15 =	veq.s32 v23, v24;
	v44 =	vtrunc.f32 v44;
	v35 =	vcvt.f32.s32 v35  }
0x123: {  	v52 =	vld [tilespmem:s21+$0x50];
	v60 =	vtrunc.f32 v49;
	v39 =	vcvt.f32.s32 v39;
	v4 =	vshll.u32 v4, $0x4  }
0x124: {  	v19 =	vld [tilespmem:s31+$0x40];
	v42 =	vcvt.f32.s32 v42;
	v35 =	vshll.u32 v35, $0x4;
	v20 =	vor.u32 v3, v4  }
0x125: {  	v23 =	vld [tilespmem:s21+$0x60];
	v44 =	vcvt.f32.s32 v44;
	v39 =	vshll.u32 v39, $0x4;
	v35 =	vor.u32 v3, v35  }
0x126: {  	v49 =	vld [tilespmem:s31+$0x50];
	v21 =	vcvt.f32.s32 v60;
	v42 =	vshll.u32 v42, $0x4;
	v39 =	vor.u32 v3, v39  }
0x127: {  	vm4 =	veq.s32 v25, v26;
	v56 =	vshll.u32 v44, $0x4;
	v44 =	vld [tilespmem:s31+$0x60];
	v42 =	vor.u32 v3, v42  }
0x128: {  	v18 =	vsel vm0, $0x10001, v2;
	v21 =	vshll.u32 v21, $0x4;
	v4 =	vld [tilespmem:s7+$0x50];
	v24 =	vor.u32 v3, v56  }
0x129: {  	v59 =	vsel vm13, $0x10001, v2;
	v41 =	vtrunc.f32 v41;
	v21 =	vor.u32 v3, v21;
	[tilespmem:v20+s26+$0x0] =	vst.idx.add.s32.msk $0xffff, v18  }
0x12a: {  	vm5 =	veq.s32 v27, v28;
	v54 =	vsel vm14, $0x10001, v2;
	v41 =	vcvt.f32.s32 v41;
	[tilespmem:v35+s26+$0x0] =	vst.idx.add.s32.msk $0xffff, v59  }
0x12b: {  	vm7 =	veq.s32 v31, v32;
	v26 =	vsel vm4, $0x10001, v2;
	v58 =	vtrunc.f32 v47;
	[tilespmem:v39+s26+$0x0] =	vst.idx.add.s32.msk $0xffff, v54  }
0x12c: {  	v47 =	vtrunc.f32 v62;
	v62 =	vsel vm5, $0x10001, v2;
	v41 =	vshll.u32 v41, $0x4;
	[tilespmem:v42+s26+$0x0] =	vst.idx.add.s32.msk $0xffff, v26  }
0x12d: {  	v31 =	vsel vm7, $0x10001, v2;
	v53 =	vor.u32 v3, v41;
	[tilespmem:v24+s26+$0x0] =	vst.idx.add.s32.msk $0xffff, v62  }
0x12e: {  	v51 =	vmul.f32 $1.500000000e+01, v11;
	[tilespmem:v21+s26+$0x0] =	vst.idx.add.s32.msk $0xffff, v31  }
0x12f: {  	[tilespmem:v20+s28+$0x0] =	vst.idx.add.f32.msk $0xffff, v5  }
0x130: {  	v61 =	vtrunc.f32 v51;
	[tilespmem:v35+s28+$0x0] =	vst.idx.add.f32.msk $0xffff, v63;
	v20 =	vcvt.f32.s32 v58  }
0x131: {  	v57 =	vmul.f32 $1.500000000e+01, v7;
	v60 =	vcvt.f32.s32 v61;
	[tilespmem:v39+s28+$0x0] =	vst.idx.add.f32.msk $0xffff, v14;
	v58 =	vsel vm15, $0x10001, v2  }
0x132: {  	v63 =	vmul.f32 $1.500000000e+01, v9;
	[tilespmem:v53+s26+$0x0] =	vst.idx.add.s32.msk $0xffff, v58;
	v20 =	vshll.u32 v20, $0x4  }
0x133: {  	v14 =	vtrunc.f32 v57;
	[tilespmem:v53+s28+$0x0] =	vst.idx.add.f32.msk $0xffff, v15;
	v15 =	vshll.u32 v60, $0x4;
	v20 =	vor.u32 v3, v20  }
0x134: {  	v55 =	vmul.f32 $1.500000000e+01, v8;
	v5 =	vld [tilespmem:s7+$0x60];
	v41 =	vcvt.f32.s32 v14;
	v15 =	vor.u32 v3, v15  }
0x135: {  	vm6 =	veq.s32 v29, v30;
	[tilespmem:v42+s28+$0x0] =	vst.idx.add.f32.msk $0xffff, v16;
	v18 =	vtrunc.f32 v63;
	v63 =	vcvt.f32.s32 v47  }
0x136: {  	vm8 =	veq.s32 v33, v34;
	vm9 =	veq.s32 v36, v37;
	[tilespmem:v21+s28+$0x0] =	vst.idx.add.f32.msk $0xffff, v12;
	v12 =	vshll.u32 v41, $0x4  }
0x137: {  	v28 =	vsel vm6, $0x10001, v2;
	[tilespmem:v24+s28+$0x0] =	vst.idx.add.f32.msk $0xffff, v17;
	v16 =	vshll.u32 v63, $0x4;
	v12 =	vor.u32 v3, v12  }
0x138: {  	v39 =	vsel vm8, $0x10001, v2;
	v29 =	vcvt.f32.s32 v18;
	v16 =	vor.u32 v3, v16;
	[tilespmem:v20+s26+$0x0] =	vst.idx.add.s32.msk $0xffff, v28  }
0x139: {  	vm12 =	veq.s32 v46, v48;
	v61 =	vmul.f32 $1.500000000e+01, v6;
	v59 =	vtrunc.f32 v55;
	[tilespmem:v15+s26+$0x0] =	vst.idx.add.s32.msk $0xffff, v39  }
0x13a: {  	v30 =	vmul.f32 $1.500000000e+01, v4;
	v32 =	vcvt.f32.s32 v59;
	v17 =	vshll.u32 v29, $0x4;
	[tilespmem:v20+s28+$0x0] =	vst.idx.add.f32.msk $0xffff, v13  }
0x13b: {  	v35 =	vtrunc.f32 v61;
	v59 =	vsel vm12, $0x10001, v2;
	v17 =	vor.u32 v3, v17;
	[tilespmem:v15+s28+$0x0] =	vst.idx.add.f32.msk $0xffff, v11  }
0x13c: {  	v51 =	vcvt.f32.s32 v35;
	v47 =	vsel vm9, $0x10001, v2;
	v13 =	vshll.u32 v32, $0x4;
	[tilespmem:v12+s26+$0x0] =	vst.idx.add.s32.msk $0xffff, v59  }
0x13d: {  	v42 =	vtrunc.f32 v30;
	v53 =	vmul.f32 $1.500000000e+01, v5;
	v13 =	vor.u32 v3, v13;
	[tilespmem:v16+s26+$0x0] =	vst.idx.add.s32.msk $0xffff, v47  }
0x13e: {  	vm10 =	veq.s32 v38, v40;
	v55 =	vcvt.f32.s32 v42;
	v11 =	vshll.u32 v51, $0x4;
	[tilespmem:v12+s28+$0x0] =	vst.idx.add.f32.msk $0xffff, v7  }
0x13f: {  	v54 =	vsel vm10, $0x10001, v2;
	v56 =	vtrunc.f32 v53;
	v11 =	vor.u32 v3, v11;
	[tilespmem:v16+s28+$0x0] =	vst.idx.add.f32.msk $0xffff, v10  }
0x140: {  	vm11 =	veq.s32 v43, v45;
	v58 =	vcvt.f32.s32 v56;
	[tilespmem:v17+s26+$0x0] =	vst.idx.add.s32.msk $0xffff, v54;
	v10 =	vshll.u32 v55, $0x4  }
0x141: {  	v57 =	vsel vm11, $0x10001, v2;
	[tilespmem:v17+s28+$0x0] =	vst.idx.add.f32.msk $0xffff, v9;
	v10 =	vor.u32 v3, v10  }
0x142: {  	vm13 =	veq.s32 v50, v19;
	v60 =	vshll.u32 v58, $0x4;
	[tilespmem:v13+s26+$0x0] =	vst.idx.add.s32.msk $0xffff, v57  }
0x143: {  	v61 =	vsel vm13, $0x10001, v2;
	[tilespmem:v13+s28+$0x0] =	vst.idx.add.f32.msk $0xffff, v8;
	v8 =	vor.u32 v3, v60  }
0x144: {  	vm14 =	veq.s32 v52, v49;
	[tilespmem:v11+s26+$0x0] =	vst.idx.add.s32.msk $0xffff, v61  }
0x145: {  	v62 =	vsel vm14, $0x10001, v2;
	[tilespmem:v11+s28+$0x0] =	vst.idx.add.f32.msk $0xffff, v6  }
0x146: {  	vm15 =	veq.s32 v23, v44;
	[tilespmem:v10+s26+$0x0] =	vst.idx.add.s32.msk $0xffff, v62  }
0x147: {  	v63 =	vsel vm15, $0x10001, v2;
	[tilespmem:v10+s28+$0x0] =	vst.idx.add.f32.msk $0xffff, v4  }
0x148: {  	[tilespmem:v8+s26+$0x0] =	vst.idx.add.s32.msk $0xffff, v63  }
0x149: {  	s6 =	simm.s32 $0x0;
	s7 =	simm.s32 $0x6180;
	[tilespmem:v8+s28+$0x0] =	vst.idx.add.f32.msk $0xffff, v5  }
.LBB2_5:
0x14a: {  	v17 =	vld [tilespmem:s7+$0x70]  }
0x14b: {  	s6 =	sadd.s32 $0x100, s6;
	v10 =	vld [tilespmem:s7+$0xFFFFFF90]  }
0x14c: {  	p0 =	slt.u32 s6, $0x1F00;
	v9 =	vld [tilespmem:s7+$0xFFFFFFA0]  }
0x14d: {  	v8 =	vld [tilespmem:s7+$0xFFFFFFB0]  }
0x14e: {  	v7 =	vld [tilespmem:s7+$0xFFFFFFC0]  }
0x14f: {  	v5 =	vld [tilespmem:s7+$0xFFFFFFD0];
	v11 =	vmul.f32 $1.500000000e+01, v17  }
0x150: {  	v12 =	vmul.f32 $1.500000000e+01, v10;
	v6 =	vld [tilespmem:s7+$0xFFFFFFE0]  }
0x151: {  	s21 =	sadd.s32 $0x100, s21;
	v13 =	vmul.f32 $1.500000000e+01, v9;
	v4 =	vld [tilespmem:s7+$0xFFFFFFF0];
	v11 =	vtrunc.f32 v11  }
0x152: {  	s31 =	sadd.s32 $0x100, s31;
	v14 =	vmul.f32 $1.500000000e+01, v8;
	v16 =	vld [tilespmem:s21+$0x70];
	v15 =	vcvt.f32.s32 v11  }
0x153: {  	v18 =	vtrunc.f32 v12;
	v19 =	vmul.f32 $1.500000000e+01, v7;
	v20 =	vld [tilespmem:s31+$0x70]  }
0x154: {  	v21 =	vtrunc.f32 v13;
	v22 =	vmul.f32 $1.500000000e+01, v5;
	v11 =	vld [tilespmem:s7+$0x0];
	v13 =	vshll.u32 v15, $0x4  }
0x155: {  	v23 =	vtrunc.f32 v14;
	v14 =	vmul.f32 $1.500000000e+01, v6;
	v12 =	vld [tilespmem:s7+$0x10];
	v24 =	vor.u32 v3, v13  }
0x156: {  	v25 =	vtrunc.f32 v19;
	v15 =	vmul.f32 $1.500000000e+01, v4;
	v13 =	vld [tilespmem:s7+$0x20]  }
0x157: {  	v22 =	vtrunc.f32 v22;
	v26 =	vtrunc.f32 v14;
	v14 =	vld [tilespmem:s7+$0x30]  }
0x158: {  	v18 =	vcvt.f32.s32 v18;
	v27 =	vtrunc.f32 v15;
	v15 =	vld [tilespmem:s7+$0x40];
	vm0 =	veq.s32 v16, v20  }
0x159: {  	v19 =	vcvt.f32.s32 v21;
	v20 =	vmul.f32 $1.500000000e+01, v11;
	v16 =	vld [tilespmem:s7+$0x50];
	v21 =	vsel vm0, $0x10001, v2  }
0x15a: {  	v18 =	vshll.u32 v18, $0x4;
	v23 =	vcvt.f32.s32 v23;
	v28 =	vmul.f32 $1.500000000e+01, v12;
	[tilespmem:v24+s26+$0x0] =	vst.idx.add.s32.msk $0xffff, v21  }
0x15b: {  	v19 =	vshll.u32 v19, $0x4;
	v29 =	vtrunc.f32 v20;
	v30 =	vmul.f32 $1.500000000e+01, v13;
	[tilespmem:v24+s28+$0x0] =	vst.idx.add.f32.msk $0xffff, v17  }
0x15c: {  	v23 =	vshll.u32 v23, $0x4;
	v24 =	vtrunc.f32 v28;
	v28 =	vmul.f32 $1.500000000e+01, v14;
	v17 =	vld [tilespmem:s7+$0x60]  }
0x15d: {  	v20 =	vor.u32 v3, v18;
	v21 =	vld [tilespmem:s7+$0xFFFFFF80];
	v30 =	vtrunc.f32 v30;
	v31 =	vmul.f32 $1.500000000e+01, v15  }
0x15e: {  	v18 =	vor.u32 v3, v19;
	v32 =	vld [tilespmem:s21+$0xFFFFFF80];
	v28 =	vtrunc.f32 v28;
	v33 =	vmul.f32 $1.500000000e+01, v16  }
0x15f: {  	v19 =	vor.u32 v3, v23;
	v23 =	vcvt.f32.s32 v25;
	v34 =	vld [tilespmem:s31+$0xFFFFFF80];
	v25 =	vtrunc.f32 v31  }
0x160: {  	v22 =	vcvt.f32.s32 v22;
	v31 =	vld [tilespmem:s21+$0xFFFFFF90];
	v33 =	vtrunc.f32 v33  }
0x161: {  	v26 =	vcvt.f32.s32 v26;
	v23 =	vshll.u32 v23, $0x4;
	v35 =	vld [tilespmem:s31+$0xFFFFFF90];
	v36 =	vmul.f32 $1.500000000e+01, v17  }
0x162: {  	v22 =	vshll.u32 v22, $0x4;
	v27 =	vcvt.f32.s32 v27;
	v37 =	vmul.f32 $1.500000000e+01, v21;
	v38 =	vld [tilespmem:s21+$0xFFFFFFA0]  }
0x163: {  	v26 =	vshll.u32 v26, $0x4;
	v29 =	vcvt.f32.s32 v29;
	v39 =	vld [tilespmem:s31+$0xFFFFFFA0];
	v36 =	vtrunc.f32 v36  }
0x164: {  	v27 =	vshll.u32 v27, $0x4;
	v24 =	vcvt.f32.s32 v24;
	v37 =	vtrunc.f32 v37;
	v40 =	vld [tilespmem:s21+$0xFFFFFFB0]  }
0x165: {  	v29 =	vshll.u32 v29, $0x4;
	v30 =	vcvt.f32.s32 v30;
	v37 =	vcvt.f32.s32 v37;
	v41 =	vld [tilespmem:s31+$0xFFFFFFB0]  }
0x166: {  	v24 =	vshll.u32 v24, $0x4;
	v28 =	vcvt.f32.s32 v28;
	v25 =	vcvt.f32.s32 v25;
	v42 =	vld [tilespmem:s21+$0xFFFFFFC0]  }
0x167: {  	v33 =	vcvt.f32.s32 v33;
	v36 =	vcvt.f32.s32 v36;
	v37 =	vshll.u32 v37, $0x4;
	v43 =	vld [tilespmem:s31+$0xFFFFFFC0]  }
0x168: {  	v30 =	vshll.u32 v30, $0x4;
	v28 =	vshll.u32 v28, $0x4;
	v25 =	vshll.u32 v25, $0x4;
	v44 =	vld [tilespmem:s21+$0xFFFFFFD0]  }
0x169: {  	v33 =	vshll.u32 v33, $0x4;
	vm1 =	veq.s32 v32, v34;
	v34 =	vshll.u32 v36, $0x4;
	v32 =	vld [tilespmem:s31+$0xFFFFFFD0]  }
0x16a: {  	vm2 =	veq.s32 v31, v35;
	vm3 =	veq.s32 v38, v39;
	vm0 =	veq.s32 v40, v41;
	v31 =	vld [tilespmem:s21+$0xFFFFFFE0]  }
0x16b: {  	v22 =	vor.u32 v3, v22;
	v23 =	vor.u32 v3, v23;
	v35 =	vor.u32 v3, v37;
	v36 =	vld [tilespmem:s31+$0xFFFFFFE0]  }
0x16c: {  	v26 =	vor.u32 v3, v26;
	v27 =	vor.u32 v3, v27;
	vm4 =	veq.s32 v42, v43;
	v37 =	vld [tilespmem:s21+$0xFFFFFFF0]  }
0x16d: {  	v29 =	vor.u32 v3, v29;
	v24 =	vor.u32 v3, v24;
	v30 =	vor.u32 v3, v30;
	v38 =	vld [tilespmem:s31+$0xFFFFFFF0]  }
0x16e: {  	v28 =	vor.u32 v3, v28;
	v25 =	vor.u32 v3, v25;
	vm5 =	veq.s32 v44, v32;
	v32 =	vld [tilespmem:s21+$0x0]  }
0x16f: {  	v33 =	vor.u32 v3, v33;
	v34 =	vor.u32 v3, v34;
	v39 =	vsel vm1, $0x10001, v2;
	v40 =	vld [tilespmem:s31+$0x0]  }
0x170: {  	v41 =	vsel vm2, $0x10001, v2;
	v42 =	vsel vm3, $0x10001, v2;
	vm1 =	veq.s32 v31, v36;
	v31 =	vld [tilespmem:s21+$0x10]  }
0x171: {  	v43 =	vsel vm4, $0x10001, v2;
	v44 =	vsel vm5, $0x10001, v2;
	v36 =	vsel vm0, $0x10001, v2;
	v45 =	vld [tilespmem:s31+$0x10]  }
0x172: {  	v46 =	vsel vm1, $0x10001, v2;
	vm0 =	veq.s32 v37, v38;
	v37 =	vld [tilespmem:s21+$0x20]  }
0x173: {  	v38 =	vsel vm0, $0x10001, v2;
	v47 =	vld [tilespmem:s31+$0x20]  }
0x174: {  	vm0 =	veq.s32 v32, v40;
	v32 =	vld [tilespmem:s21+$0x30]  }
0x175: {  	v40 =	vsel vm0, $0x10001, v2;
	v48 =	vld [tilespmem:s31+$0x30]  }
0x176: {  	vm0 =	veq.s32 v31, v45;
	v31 =	vld [tilespmem:s21+$0x40]  }
0x177: {  	v45 =	vsel vm0, $0x10001, v2;
	v49 =	vld [tilespmem:s31+$0x40]  }
0x178: {  	vm0 =	veq.s32 v37, v47;
	v37 =	vld [tilespmem:s21+$0x50]  }
0x179: {  	v47 =	vsel vm0, $0x10001, v2;
	v50 =	vld [tilespmem:s31+$0x50]  }
0x17a: {  	vm0 =	veq.s32 v32, v48;
	v32 =	vld [tilespmem:s21+$0x60]  }
0x17b: {  	v48 =	vsel vm0, $0x10001, v2;
	v51 =	vld [tilespmem:s31+$0x60]  }
0x17c: {  	[tilespmem:v35+s26+$0x0] =	vst.idx.add.s32.msk $0xffff, v39;
	vm0 =	veq.s32 v31, v49  }
0x17d: {  	[tilespmem:v35+s28+$0x0] =	vst.idx.add.f32.msk $0xffff, v21;
	v21 =	vsel vm0, $0x10001, v2  }
0x17e: {  	[tilespmem:v20+s26+$0x0] =	vst.idx.add.s32.msk $0xffff, v41;
	vm0 =	veq.s32 v37, v50  }
0x17f: {  	[tilespmem:v20+s28+$0x0] =	vst.idx.add.f32.msk $0xffff, v10;
	v10 =	vsel vm0, $0x10001, v2  }
0x180: {  	[tilespmem:v18+s26+$0x0] =	vst.idx.add.s32.msk $0xffff, v42;
	vm0 =	veq.s32 v32, v51  }
0x181: {  	[tilespmem:v18+s28+$0x0] =	vst.idx.add.f32.msk $0xffff, v9;
	v9 =	vsel vm0, $0x10001, v2  }
0x182: {  	[tilespmem:v19+s26+$0x0] =	vst.idx.add.s32.msk $0xffff, v36  }
0x183: {  	[tilespmem:v19+s28+$0x0] =	vst.idx.add.f32.msk $0xffff, v8  }
0x184: {  	[tilespmem:v23+s26+$0x0] =	vst.idx.add.s32.msk $0xffff, v43  }
0x185: {  	[tilespmem:v23+s28+$0x0] =	vst.idx.add.f32.msk $0xffff, v7  }
0x186: {  	[tilespmem:v22+s26+$0x0] =	vst.idx.add.s32.msk $0xffff, v44  }
0x187: {  	[tilespmem:v22+s28+$0x0] =	vst.idx.add.f32.msk $0xffff, v5  }
0x188: {  	[tilespmem:v26+s26+$0x0] =	vst.idx.add.s32.msk $0xffff, v46  }
0x189: {  	[tilespmem:v26+s28+$0x0] =	vst.idx.add.f32.msk $0xffff, v6  }
0x18a: {  	[tilespmem:v27+s26+$0x0] =	vst.idx.add.s32.msk $0xffff, v38  }
0x18b: {  	[tilespmem:v27+s28+$0x0] =	vst.idx.add.f32.msk $0xffff, v4  }
0x18c: {  	[tilespmem:v29+s26+$0x0] =	vst.idx.add.s32.msk $0xffff, v40  }
0x18d: {  	[tilespmem:v29+s28+$0x0] =	vst.idx.add.f32.msk $0xffff, v11  }
0x18e: {  	[tilespmem:v24+s26+$0x0] =	vst.idx.add.s32.msk $0xffff, v45  }
0x18f: {  	[tilespmem:v24+s28+$0x0] =	vst.idx.add.f32.msk $0xffff, v12  }
0x190: {  	[tilespmem:v30+s26+$0x0] =	vst.idx.add.s32.msk $0xffff, v47  }
0x191: {  	[tilespmem:v30+s28+$0x0] =	vst.idx.add.f32.msk $0xffff, v13  }
0x192: {  	[tilespmem:v28+s26+$0x0] =	vst.idx.add.s32.msk $0xffff, v48  }
0x193: {  	[tilespmem:v28+s28+$0x0] =	vst.idx.add.f32.msk $0xffff, v14  }
0x194: {  	[tilespmem:v25+s26+$0x0] =	vst.idx.add.s32.msk $0xffff, v21  }
.Ltmp1:
0x195: {  	[tilespmem:v25+s28+$0x0] =	vst.idx.add.f32.msk $0xffff, v15;
	(pc) =	sbr.rel @p0 .LBB2_5-.Ltmp1, $4  }
0x196: {  	[tilespmem:v33+s26+$0x0] =	vst.idx.add.s32.msk $0xffff, v10  }
0x197: {  	[tilespmem:v33+s28+$0x0] =	vst.idx.add.f32.msk $0xffff, v16  }
0x198: {  	[tilespmem:v34+s26+$0x0] =	vst.idx.add.s32.msk $0xffff, v9  }
0x199: {  	s7 =	sadd.s32 $0x100, s7;
	[tilespmem:v34+s28+$0x0] =	vst.idx.add.f32.msk $0xffff, v17  }
0x19a: {  	_ =	swait.ge [sflag:s30], $0x2000  }
0x19b: {  	[sflag:s30] =	ssyncset.done $0x0  }
0x19c: {  	[sflag:s30] =	ssyncadd.s32 $0xFFFFE000  }
0x19d: {  	_ =	swait.ge [sflag:s30], $0x2000  }
0x19e: {  	[sflag:s30] =	ssyncset.done $0x0  }
0x19f: {  	p0 =	seq.s32 s19, $0x14;
	[sflag:s30] =	ssyncadd.s32 $0xFFFFE000  }
0x1a0: {  	s6 =	sadd.s32 @!p0 s20, s14;
	_ =	swait.ge [sflag:s30], $0x2000  }
0x1a1: {  	s20 =	simm.s32 @!p0 $0x0;
	s6 =	sshrl.u32 @!p0 s6, $0x3;
	[sflag:s30] =	ssyncset.done $0x0  }
0x1a2: {  	s21 =	simm.s32 @!p0 $0x6000;
	s7 =	sadd.s32 @!p0 s1, s6;
	[sflag:s30] =	ssyncadd.s32 $0xFFFFE000  }
0x1a3: {  	[tilespmem:s21], [sflag:$0x2] =	stream.linear.gather @!p0 [hbm4b:s7+s20], $0x2000, $0x38;
	[tilespmem:$0x12400] =	vst v63  }
0x1a4: {  	s7 =	sadd.s32 @!p0 s2, s6;
	s21 =	simm.s32 @!p0 $0x8000  }
0x1a5: {  	[tilespmem:s21], [sflag:$0x2] =	stream.linear.gather @!p0 [hbm4b:s7+s20], $0x2000, $0x38;
	[tilespmem:$0x12400] =	vst v63  }
0x1a6: {  	s31 =	simm.s32 $0xC080;
	s6 =	sadd.s32 @!p0 s4, s6;
	s7 =	simm.s32 @!p0 $0xA000  }
0x1a7: {  	[tilespmem:s7], [sflag:$0x2] =	stream.linear.gather @!p0 [hbm4b:s6+s20], $0x2000, $0x38;
	[tilespmem:$0x12400] =	vst v63  }
0x1a8: {  	v5 =	vld [tilespmem:s31+$0x70]  }
0x1a9: {  	v14 =	vld [tilespmem:s31+$0xFFFFFF90]  }
0x1aa: {  	v15 =	vld [tilespmem:s31+$0xFFFFFFA0]  }
0x1ab: {  	v16 =	vld [tilespmem:s31+$0xFFFFFFB0]  }
0x1ac: {  	v17 =	vld [tilespmem:s31+$0xFFFFFFC0]  }
0x1ad: {  	v13 =	vld [tilespmem:s31+$0xFFFFFFD0]  }
0x1ae: {  	v12 =	vld [tilespmem:s31+$0xFFFFFFE0]  }
0x1af: {  	s20 =	simm.s32 $0xE080;
	v11 =	vld [tilespmem:s31+$0xFFFFFFF0]  }
0x1b0: {  	s21 =	simm.s32 $0x10080;
	v18 =	vld [tilespmem:s20+$0x70]  }
0x1b1: {  	v19 =	vld [tilespmem:s21+$0x70]  }
0x1b2: {  	v10 =	vld [tilespmem:s31+$0x0]  }
0x1b3: {  	v9 =	vld [tilespmem:s31+$0x10]  }
0x1b4: {  	v8 =	vld [tilespmem:s31+$0x20]  }
0x1b5: {  	v7 =	vld [tilespmem:s31+$0x30]  }
0x1b6: {  	v6 =	vld [tilespmem:s31+$0x40]  }
0x1b7: {  	v63 =	vld [tilespmem:s31+$0xFFFFFF80]  }
0x1b8: {  	v56 =	vld [tilespmem:s20+$0xFFFFFF80]  }
0x1b9: {  	v57 =	vld [tilespmem:s21+$0xFFFFFF80]  }
0x1ba: {  	v21 =	vld [tilespmem:s20+$0xFFFFFF90]  }
0x1bb: {  	v22 =	vld [tilespmem:s21+$0xFFFFFF90]  }
0x1bc: {  	v23 =	vld [tilespmem:s20+$0xFFFFFFA0]  }
0x1bd: {  	v24 =	vld [tilespmem:s21+$0xFFFFFFA0]  }
0x1be: {  	v25 =	vld [tilespmem:s20+$0xFFFFFFB0]  }
0x1bf: {  	v26 =	vld [tilespmem:s21+$0xFFFFFFB0]  }
0x1c0: {  	v27 =	vld [tilespmem:s20+$0xFFFFFFC0]  }
0x1c1: {  	v28 =	vld [tilespmem:s21+$0xFFFFFFC0]  }
0x1c2: {  	v29 =	vld [tilespmem:s20+$0xFFFFFFD0]  }
0x1c3: {  	v30 =	vld [tilespmem:s21+$0xFFFFFFD0]  }
0x1c4: {  	v31 =	vld [tilespmem:s20+$0xFFFFFFE0]  }
0x1c5: {  	v32 =	vld [tilespmem:s21+$0xFFFFFFE0]  }
0x1c6: {  	v33 =	vld [tilespmem:s20+$0xFFFFFFF0]  }
0x1c7: {  	v34 =	vld [tilespmem:s21+$0xFFFFFFF0]  }
0x1c8: {  	v36 =	vld [tilespmem:s20+$0x0]  }
0x1c9: {  	v37 =	vld [tilespmem:s21+$0x0];
	v4 =	vmul.f32 $1.500000000e+01, v5;
	v35 =	vmul.f32 $1.500000000e+01, v63  }
0x1ca: {  	v38 =	vld [tilespmem:s20+$0x10];
	v39 =	vmul.f32 $1.500000000e+01, v14;
	v41 =	vmul.f32 $1.500000000e+01, v15  }
0x1cb: {  	v40 =	vld [tilespmem:s21+$0x10];
	v42 =	vmul.f32 $1.500000000e+01, v16;
	v44 =	vmul.f32 $1.500000000e+01, v17  }
0x1cc: {  	v43 =	vld [tilespmem:s20+$0x20];
	v47 =	vmul.f32 $1.500000000e+01, v13;
	v49 =	vmul.f32 $1.500000000e+01, v12  }
0x1cd: {  	v45 =	vld [tilespmem:s21+$0x20];
	vm0 =	veq.s32 v18, v19;
	v62 =	vmul.f32 $1.500000000e+01, v10;
	v4 =	vtrunc.f32 v4  }
0x1ce: {  	v46 =	vld [tilespmem:s20+$0x30];
	vm13 =	veq.s32 v56, v57;
	v35 =	vtrunc.f32 v35;
	v39 =	vtrunc.f32 v39  }
0x1cf: {  	v48 =	vld [tilespmem:s21+$0x30];
	vm14 =	veq.s32 v21, v22;
	v42 =	vtrunc.f32 v42;
	v4 =	vcvt.f32.s32 v4  }
0x1d0: {  	v50 =	vld [tilespmem:s20+$0x40];
	vm15 =	veq.s32 v23, v24;
	v44 =	vtrunc.f32 v44;
	v35 =	vcvt.f32.s32 v35  }
0x1d1: {  	v52 =	vld [tilespmem:s20+$0x50];
	v60 =	vtrunc.f32 v49;
	v39 =	vcvt.f32.s32 v39;
	v4 =	vshll.u32 v4, $0x4  }
0x1d2: {  	v19 =	vld [tilespmem:s21+$0x40];
	v42 =	vcvt.f32.s32 v42;
	v35 =	vshll.u32 v35, $0x4;
	v20 =	vor.u32 v3, v4  }
0x1d3: {  	v23 =	vld [tilespmem:s20+$0x60];
	v44 =	vcvt.f32.s32 v44;
	v39 =	vshll.u32 v39, $0x4;
	v35 =	vor.u32 v3, v35  }
0x1d4: {  	v49 =	vld [tilespmem:s21+$0x50];
	v21 =	vcvt.f32.s32 v60;
	v42 =	vshll.u32 v42, $0x4;
	v39 =	vor.u32 v3, v39  }
0x1d5: {  	vm4 =	veq.s32 v25, v26;
	v56 =	vshll.u32 v44, $0x4;
	v44 =	vld [tilespmem:s21+$0x60];
	v42 =	vor.u32 v3, v42  }
0x1d6: {  	v18 =	vsel vm0, $0x10001, v2;
	v21 =	vshll.u32 v21, $0x4;
	v4 =	vld [tilespmem:s31+$0x50];
	v24 =	vor.u32 v3, v56  }
0x1d7: {  	v59 =	vsel vm13, $0x10001, v2;
	v41 =	vtrunc.f32 v41;
	v21 =	vor.u32 v3, v21;
	[tilespmem:v20+s26+$0x0] =	vst.idx.add.s32.msk $0xffff, v18  }
0x1d8: {  	vm5 =	veq.s32 v27, v28;
	v54 =	vsel vm14, $0x10001, v2;
	v41 =	vcvt.f32.s32 v41;
	[tilespmem:v35+s26+$0x0] =	vst.idx.add.s32.msk $0xffff, v59  }
0x1d9: {  	vm7 =	veq.s32 v31, v32;
	v26 =	vsel vm4, $0x10001, v2;
	v58 =	vtrunc.f32 v47;
	[tilespmem:v39+s26+$0x0] =	vst.idx.add.s32.msk $0xffff, v54  }
0x1da: {  	v47 =	vtrunc.f32 v62;
	v62 =	vsel vm5, $0x10001, v2;
	v41 =	vshll.u32 v41, $0x4;
	[tilespmem:v42+s26+$0x0] =	vst.idx.add.s32.msk $0xffff, v26  }
0x1db: {  	v31 =	vsel vm7, $0x10001, v2;
	v53 =	vor.u32 v3, v41;
	[tilespmem:v24+s26+$0x0] =	vst.idx.add.s32.msk $0xffff, v62  }
0x1dc: {  	v51 =	vmul.f32 $1.500000000e+01, v11;
	[tilespmem:v21+s26+$0x0] =	vst.idx.add.s32.msk $0xffff, v31  }
0x1dd: {  	[tilespmem:v20+s28+$0x0] =	vst.idx.add.f32.msk $0xffff, v5  }
0x1de: {  	v61 =	vtrunc.f32 v51;
	[tilespmem:v35+s28+$0x0] =	vst.idx.add.f32.msk $0xffff, v63;
	v20 =	vcvt.f32.s32 v58  }
0x1df: {  	v57 =	vmul.f32 $1.500000000e+01, v7;
	v60 =	vcvt.f32.s32 v61;
	[tilespmem:v39+s28+$0x0] =	vst.idx.add.f32.msk $0xffff, v14;
	v58 =	vsel vm15, $0x10001, v2  }
0x1e0: {  	v63 =	vmul.f32 $1.500000000e+01, v9;
	[tilespmem:v53+s26+$0x0] =	vst.idx.add.s32.msk $0xffff, v58;
	v20 =	vshll.u32 v20, $0x4  }
0x1e1: {  	v14 =	vtrunc.f32 v57;
	[tilespmem:v53+s28+$0x0] =	vst.idx.add.f32.msk $0xffff, v15;
	v15 =	vshll.u32 v60, $0x4;
	v20 =	vor.u32 v3, v20  }
0x1e2: {  	v55 =	vmul.f32 $1.500000000e+01, v8;
	v5 =	vld [tilespmem:s31+$0x60];
	v41 =	vcvt.f32.s32 v14;
	v15 =	vor.u32 v3, v15  }
0x1e3: {  	vm6 =	veq.s32 v29, v30;
	[tilespmem:v42+s28+$0x0] =	vst.idx.add.f32.msk $0xffff, v16;
	v18 =	vtrunc.f32 v63;
	v63 =	vcvt.f32.s32 v47  }
0x1e4: {  	vm8 =	veq.s32 v33, v34;
	vm9 =	veq.s32 v36, v37;
	[tilespmem:v21+s28+$0x0] =	vst.idx.add.f32.msk $0xffff, v12;
	v12 =	vshll.u32 v41, $0x4  }
0x1e5: {  	v28 =	vsel vm6, $0x10001, v2;
	[tilespmem:v24+s28+$0x0] =	vst.idx.add.f32.msk $0xffff, v17;
	v16 =	vshll.u32 v63, $0x4;
	v12 =	vor.u32 v3, v12  }
0x1e6: {  	v39 =	vsel vm8, $0x10001, v2;
	v29 =	vcvt.f32.s32 v18;
	v16 =	vor.u32 v3, v16;
	[tilespmem:v20+s26+$0x0] =	vst.idx.add.s32.msk $0xffff, v28  }
0x1e7: {  	vm12 =	veq.s32 v46, v48;
	v61 =	vmul.f32 $1.500000000e+01, v6;
	v59 =	vtrunc.f32 v55;
	[tilespmem:v15+s26+$0x0] =	vst.idx.add.s32.msk $0xffff, v39  }
0x1e8: {  	v30 =	vmul.f32 $1.500000000e+01, v4;
	v32 =	vcvt.f32.s32 v59;
	v17 =	vshll.u32 v29, $0x4;
	[tilespmem:v20+s28+$0x0] =	vst.idx.add.f32.msk $0xffff, v13  }
0x1e9: {  	v35 =	vtrunc.f32 v61;
	v59 =	vsel vm12, $0x10001, v2;
	v17 =	vor.u32 v3, v17;
	[tilespmem:v15+s28+$0x0] =	vst.idx.add.f32.msk $0xffff, v11  }
0x1ea: {  	v51 =	vcvt.f32.s32 v35;
	v47 =	vsel vm9, $0x10001, v2;
	v13 =	vshll.u32 v32, $0x4;
	[tilespmem:v12+s26+$0x0] =	vst.idx.add.s32.msk $0xffff, v59  }
0x1eb: {  	v42 =	vtrunc.f32 v30;
	v53 =	vmul.f32 $1.500000000e+01, v5;
	v13 =	vor.u32 v3, v13;
	[tilespmem:v16+s26+$0x0] =	vst.idx.add.s32.msk $0xffff, v47  }
0x1ec: {  	vm10 =	veq.s32 v38, v40;
	v55 =	vcvt.f32.s32 v42;
	v11 =	vshll.u32 v51, $0x4;
	[tilespmem:v12+s28+$0x0] =	vst.idx.add.f32.msk $0xffff, v7  }
0x1ed: {  	v54 =	vsel vm10, $0x10001, v2;
	v56 =	vtrunc.f32 v53;
	v11 =	vor.u32 v3, v11;
	[tilespmem:v16+s28+$0x0] =	vst.idx.add.f32.msk $0xffff, v10  }
0x1ee: {  	vm11 =	veq.s32 v43, v45;
	v58 =	vcvt.f32.s32 v56;
	[tilespmem:v17+s26+$0x0] =	vst.idx.add.s32.msk $0xffff, v54;
	v10 =	vshll.u32 v55, $0x4  }
0x1ef: {  	v57 =	vsel vm11, $0x10001, v2;
	[tilespmem:v17+s28+$0x0] =	vst.idx.add.f32.msk $0xffff, v9;
	v10 =	vor.u32 v3, v10  }
0x1f0: {  	vm13 =	veq.s32 v50, v19;
	v60 =	vshll.u32 v58, $0x4;
	[tilespmem:v13+s26+$0x0] =	vst.idx.add.s32.msk $0xffff, v57  }
0x1f1: {  	v61 =	vsel vm13, $0x10001, v2;
	[tilespmem:v13+s28+$0x0] =	vst.idx.add.f32.msk $0xffff, v8;
	v8 =	vor.u32 v3, v60  }
0x1f2: {  	vm14 =	veq.s32 v52, v49;
	[tilespmem:v11+s26+$0x0] =	vst.idx.add.s32.msk $0xffff, v61  }
0x1f3: {  	v62 =	vsel vm14, $0x10001, v2;
	[tilespmem:v11+s28+$0x0] =	vst.idx.add.f32.msk $0xffff, v6  }
0x1f4: {  	vm15 =	veq.s32 v23, v44;
	[tilespmem:v10+s26+$0x0] =	vst.idx.add.s32.msk $0xffff, v62  }
0x1f5: {  	v63 =	vsel vm15, $0x10001, v2;
	[tilespmem:v10+s28+$0x0] =	vst.idx.add.f32.msk $0xffff, v4  }
0x1f6: {  	[tilespmem:v8+s26+$0x0] =	vst.idx.add.s32.msk $0xffff, v63  }
0x1f7: {  	s6 =	simm.s32 $0x0;
	s7 =	simm.s32 $0xC180;
	[tilespmem:v8+s28+$0x0] =	vst.idx.add.f32.msk $0xffff, v5  }
.LBB2_7:
0x1f8: {  	v17 =	vld [tilespmem:s7+$0x70]  }
0x1f9: {  	s6 =	sadd.s32 $0x100, s6;
	v10 =	vld [tilespmem:s7+$0xFFFFFF90]  }
0x1fa: {  	p0 =	slt.u32 s6, $0x1F00;
	v9 =	vld [tilespmem:s7+$0xFFFFFFA0]  }
0x1fb: {  	v8 =	vld [tilespmem:s7+$0xFFFFFFB0]  }
0x1fc: {  	v7 =	vld [tilespmem:s7+$0xFFFFFFC0]  }
0x1fd: {  	v5 =	vld [tilespmem:s7+$0xFFFFFFD0];
	v11 =	vmul.f32 $1.500000000e+01, v17  }
0x1fe: {  	v12 =	vmul.f32 $1.500000000e+01, v10;
	v6 =	vld [tilespmem:s7+$0xFFFFFFE0]  }
0x1ff: {  	s20 =	sadd.s32 $0x100, s20;
	v13 =	vmul.f32 $1.500000000e+01, v9;
	v4 =	vld [tilespmem:s7+$0xFFFFFFF0];
	v11 =	vtrunc.f32 v11  }
0x200: {  	s21 =	sadd.s32 $0x100, s21;
	v14 =	vmul.f32 $1.500000000e+01, v8;
	v16 =	vld [tilespmem:s20+$0x70];
	v15 =	vcvt.f32.s32 v11  }
0x201: {  	v18 =	vtrunc.f32 v12;
	v19 =	vmul.f32 $1.500000000e+01, v7;
	v20 =	vld [tilespmem:s21+$0x70]  }
0x202: {  	v21 =	vtrunc.f32 v13;
	v22 =	vmul.f32 $1.500000000e+01, v5;
	v11 =	vld [tilespmem:s7+$0x0];
	v13 =	vshll.u32 v15, $0x4  }
0x203: {  	v23 =	vtrunc.f32 v14;
	v14 =	vmul.f32 $1.500000000e+01, v6;
	v12 =	vld [tilespmem:s7+$0x10];
	v24 =	vor.u32 v3, v13  }
0x204: {  	v25 =	vtrunc.f32 v19;
	v15 =	vmul.f32 $1.500000000e+01, v4;
	v13 =	vld [tilespmem:s7+$0x20]  }
0x205: {  	v22 =	vtrunc.f32 v22;
	v26 =	vtrunc.f32 v14;
	v14 =	vld [tilespmem:s7+$0x30]  }
0x206: {  	v18 =	vcvt.f32.s32 v18;
	v27 =	vtrunc.f32 v15;
	v15 =	vld [tilespmem:s7+$0x40];
	vm0 =	veq.s32 v16, v20  }
0x207: {  	v19 =	vcvt.f32.s32 v21;
	v20 =	vmul.f32 $1.500000000e+01, v11;
	v16 =	vld [tilespmem:s7+$0x50];
	v21 =	vsel vm0, $0x10001, v2  }
0x208: {  	v18 =	vshll.u32 v18, $0x4;
	v23 =	vcvt.f32.s32 v23;
	v28 =	vmul.f32 $1.500000000e+01, v12;
	[tilespmem:v24+s26+$0x0] =	vst.idx.add.s32.msk $0xffff, v21  }
0x209: {  	v19 =	vshll.u32 v19, $0x4;
	v29 =	vtrunc.f32 v20;
	v30 =	vmul.f32 $1.500000000e+01, v13;
	[tilespmem:v24+s28+$0x0] =	vst.idx.add.f32.msk $0xffff, v17  }
0x20a: {  	v23 =	vshll.u32 v23, $0x4;
	v24 =	vtrunc.f32 v28;
	v28 =	vmul.f32 $1.500000000e+01, v14;
	v17 =	vld [tilespmem:s7+$0x60]  }
0x20b: {  	v20 =	vor.u32 v3, v18;
	v21 =	vld [tilespmem:s7+$0xFFFFFF80];
	v30 =	vtrunc.f32 v30;
	v31 =	vmul.f32 $1.500000000e+01, v15  }
0x20c: {  	v18 =	vor.u32 v3, v19;
	v32 =	vld [tilespmem:s20+$0xFFFFFF80];
	v28 =	vtrunc.f32 v28;
	v33 =	vmul.f32 $1.500000000e+01, v16  }
0x20d: {  	v19 =	vor.u32 v3, v23;
	v23 =	vcvt.f32.s32 v25;
	v34 =	vld [tilespmem:s21+$0xFFFFFF80];
	v25 =	vtrunc.f32 v31  }
0x20e: {  	v22 =	vcvt.f32.s32 v22;
	v31 =	vld [tilespmem:s20+$0xFFFFFF90];
	v33 =	vtrunc.f32 v33  }
0x20f: {  	v26 =	vcvt.f32.s32 v26;
	v23 =	vshll.u32 v23, $0x4;
	v35 =	vld [tilespmem:s21+$0xFFFFFF90];
	v36 =	vmul.f32 $1.500000000e+01, v17  }
0x210: {  	v22 =	vshll.u32 v22, $0x4;
	v27 =	vcvt.f32.s32 v27;
	v37 =	vmul.f32 $1.500000000e+01, v21;
	v38 =	vld [tilespmem:s20+$0xFFFFFFA0]  }
0x211: {  	v26 =	vshll.u32 v26, $0x4;
	v29 =	vcvt.f32.s32 v29;
	v39 =	vld [tilespmem:s21+$0xFFFFFFA0];
	v36 =	vtrunc.f32 v36  }
0x212: {  	v27 =	vshll.u32 v27, $0x4;
	v24 =	vcvt.f32.s32 v24;
	v37 =	vtrunc.f32 v37;
	v40 =	vld [tilespmem:s20+$0xFFFFFFB0]  }
0x213: {  	v29 =	vshll.u32 v29, $0x4;
	v30 =	vcvt.f32.s32 v30;
	v37 =	vcvt.f32.s32 v37;
	v41 =	vld [tilespmem:s21+$0xFFFFFFB0]  }
0x214: {  	v24 =	vshll.u32 v24, $0x4;
	v28 =	vcvt.f32.s32 v28;
	v25 =	vcvt.f32.s32 v25;
	v42 =	vld [tilespmem:s20+$0xFFFFFFC0]  }
0x215: {  	v33 =	vcvt.f32.s32 v33;
	v36 =	vcvt.f32.s32 v36;
	v37 =	vshll.u32 v37, $0x4;
	v43 =	vld [tilespmem:s21+$0xFFFFFFC0]  }
0x216: {  	v30 =	vshll.u32 v30, $0x4;
	v28 =	vshll.u32 v28, $0x4;
	v25 =	vshll.u32 v25, $0x4;
	v44 =	vld [tilespmem:s20+$0xFFFFFFD0]  }
0x217: {  	v33 =	vshll.u32 v33, $0x4;
	vm1 =	veq.s32 v32, v34;
	v34 =	vshll.u32 v36, $0x4;
	v32 =	vld [tilespmem:s21+$0xFFFFFFD0]  }
0x218: {  	vm2 =	veq.s32 v31, v35;
	vm3 =	veq.s32 v38, v39;
	vm0 =	veq.s32 v40, v41;
	v31 =	vld [tilespmem:s20+$0xFFFFFFE0]  }
0x219: {  	v22 =	vor.u32 v3, v22;
	v23 =	vor.u32 v3, v23;
	v35 =	vor.u32 v3, v37;
	v36 =	vld [tilespmem:s21+$0xFFFFFFE0]  }
0x21a: {  	v26 =	vor.u32 v3, v26;
	v27 =	vor.u32 v3, v27;
	vm4 =	veq.s32 v42, v43;
	v37 =	vld [tilespmem:s20+$0xFFFFFFF0]  }
0x21b: {  	v29 =	vor.u32 v3, v29;
	v24 =	vor.u32 v3, v24;
	v30 =	vor.u32 v3, v30;
	v38 =	vld [tilespmem:s21+$0xFFFFFFF0]  }
0x21c: {  	v28 =	vor.u32 v3, v28;
	v25 =	vor.u32 v3, v25;
	vm5 =	veq.s32 v44, v32;
	v32 =	vld [tilespmem:s20+$0x0]  }
0x21d: {  	v33 =	vor.u32 v3, v33;
	v34 =	vor.u32 v3, v34;
	v39 =	vsel vm1, $0x10001, v2;
	v40 =	vld [tilespmem:s21+$0x0]  }
0x21e: {  	v41 =	vsel vm2, $0x10001, v2;
	v42 =	vsel vm3, $0x10001, v2;
	vm1 =	veq.s32 v31, v36;
	v31 =	vld [tilespmem:s20+$0x10]  }
0x21f: {  	v43 =	vsel vm4, $0x10001, v2;
	v44 =	vsel vm5, $0x10001, v2;
	v36 =	vsel vm0, $0x10001, v2;
	v45 =	vld [tilespmem:s21+$0x10]  }
0x220: {  	v46 =	vsel vm1, $0x10001, v2;
	vm0 =	veq.s32 v37, v38;
	v37 =	vld [tilespmem:s20+$0x20]  }
0x221: {  	v38 =	vsel vm0, $0x10001, v2;
	v47 =	vld [tilespmem:s21+$0x20]  }
0x222: {  	vm0 =	veq.s32 v32, v40;
	v32 =	vld [tilespmem:s20+$0x30]  }
0x223: {  	v40 =	vsel vm0, $0x10001, v2;
	v48 =	vld [tilespmem:s21+$0x30]  }
0x224: {  	vm0 =	veq.s32 v31, v45;
	v31 =	vld [tilespmem:s20+$0x40]  }
0x225: {  	v45 =	vsel vm0, $0x10001, v2;
	v49 =	vld [tilespmem:s21+$0x40]  }
0x226: {  	vm0 =	veq.s32 v37, v47;
	v37 =	vld [tilespmem:s20+$0x50]  }
0x227: {  	v47 =	vsel vm0, $0x10001, v2;
	v50 =	vld [tilespmem:s21+$0x50]  }
0x228: {  	vm0 =	veq.s32 v32, v48;
	v32 =	vld [tilespmem:s20+$0x60]  }
0x229: {  	v48 =	vsel vm0, $0x10001, v2;
	v51 =	vld [tilespmem:s21+$0x60]  }
0x22a: {  	[tilespmem:v35+s26+$0x0] =	vst.idx.add.s32.msk $0xffff, v39;
	vm0 =	veq.s32 v31, v49  }
0x22b: {  	[tilespmem:v35+s28+$0x0] =	vst.idx.add.f32.msk $0xffff, v21;
	v21 =	vsel vm0, $0x10001, v2  }
0x22c: {  	[tilespmem:v20+s26+$0x0] =	vst.idx.add.s32.msk $0xffff, v41;
	vm0 =	veq.s32 v37, v50  }
0x22d: {  	[tilespmem:v20+s28+$0x0] =	vst.idx.add.f32.msk $0xffff, v10;
	v10 =	vsel vm0, $0x10001, v2  }
0x22e: {  	[tilespmem:v18+s26+$0x0] =	vst.idx.add.s32.msk $0xffff, v42;
	vm0 =	veq.s32 v32, v51  }
0x22f: {  	[tilespmem:v18+s28+$0x0] =	vst.idx.add.f32.msk $0xffff, v9;
	v9 =	vsel vm0, $0x10001, v2  }
0x230: {  	[tilespmem:v19+s26+$0x0] =	vst.idx.add.s32.msk $0xffff, v36  }
0x231: {  	[tilespmem:v19+s28+$0x0] =	vst.idx.add.f32.msk $0xffff, v8  }
0x232: {  	[tilespmem:v23+s26+$0x0] =	vst.idx.add.s32.msk $0xffff, v43  }
0x233: {  	[tilespmem:v23+s28+$0x0] =	vst.idx.add.f32.msk $0xffff, v7  }
0x234: {  	[tilespmem:v22+s26+$0x0] =	vst.idx.add.s32.msk $0xffff, v44  }
0x235: {  	[tilespmem:v22+s28+$0x0] =	vst.idx.add.f32.msk $0xffff, v5  }
0x236: {  	[tilespmem:v26+s26+$0x0] =	vst.idx.add.s32.msk $0xffff, v46  }
0x237: {  	[tilespmem:v26+s28+$0x0] =	vst.idx.add.f32.msk $0xffff, v6  }
0x238: {  	[tilespmem:v27+s26+$0x0] =	vst.idx.add.s32.msk $0xffff, v38  }
0x239: {  	[tilespmem:v27+s28+$0x0] =	vst.idx.add.f32.msk $0xffff, v4  }
0x23a: {  	[tilespmem:v29+s26+$0x0] =	vst.idx.add.s32.msk $0xffff, v40  }
0x23b: {  	[tilespmem:v29+s28+$0x0] =	vst.idx.add.f32.msk $0xffff, v11  }
0x23c: {  	[tilespmem:v24+s26+$0x0] =	vst.idx.add.s32.msk $0xffff, v45  }
0x23d: {  	[tilespmem:v24+s28+$0x0] =	vst.idx.add.f32.msk $0xffff, v12  }
0x23e: {  	[tilespmem:v30+s26+$0x0] =	vst.idx.add.s32.msk $0xffff, v47  }
0x23f: {  	[tilespmem:v30+s28+$0x0] =	vst.idx.add.f32.msk $0xffff, v13  }
0x240: {  	[tilespmem:v28+s26+$0x0] =	vst.idx.add.s32.msk $0xffff, v48  }
0x241: {  	[tilespmem:v28+s28+$0x0] =	vst.idx.add.f32.msk $0xffff, v14  }
0x242: {  	[tilespmem:v25+s26+$0x0] =	vst.idx.add.s32.msk $0xffff, v21  }
.Ltmp2:
0x243: {  	[tilespmem:v25+s28+$0x0] =	vst.idx.add.f32.msk $0xffff, v15;
	(pc) =	sbr.rel @p0 .LBB2_7-.Ltmp2, $4  }
0x244: {  	[tilespmem:v33+s26+$0x0] =	vst.idx.add.s32.msk $0xffff, v10  }
0x245: {  	[tilespmem:v33+s28+$0x0] =	vst.idx.add.f32.msk $0xffff, v16  }
0x246: {  	[tilespmem:v34+s26+$0x0] =	vst.idx.add.s32.msk $0xffff, v9  }
0x247: {  	s7 =	sadd.s32 $0x100, s7;
	[tilespmem:v34+s28+$0x0] =	vst.idx.add.f32.msk $0xffff, v17  }
0x248: {  	s19 =	sadd.s32 $0x1, s19  }
0x249: {  	p0 =	sne.s32 s19, $0x15  }
.Ltmp3:
0x24a: {  	_ = 	snop;
	(pc) =	sbr.rel @p0 .LBB2_2-.Ltmp3, $1  }
0x24b: {  	_ =	sdelay $0x3  }
0x24c: {  	_ =	swait.ge [sflag:s22], $0x2000  }
0x24d: {  	[sflag:s22] =	ssyncset.done $0x0  }
0x24e: {  	[sflag:s22] =	ssyncadd.s32 $0xFFFFE000  }
0x24f: {  	_ =	swait.ge [sflag:s22], $0x2000  }
0x250: {  	[sflag:s22] =	ssyncset.done $0x0  }
0x251: {  	[sflag:s22] =	ssyncadd.s32 $0xFFFFE000  }
0x252: {  	_ =	swait.ge [sflag:s22], $0x2000  }
0x253: {  	[sflag:s22] =	ssyncset.done $0x0  }
0x254: {  	s6 =	simm.s32 $0x80;
	[sflag:s22] =	ssyncadd.s32 $0xFFFFE000  }
0x255: {  	v5 =	vld [tilespmem:s6+$0x70]  }
0x256: {  	v14 =	vld [tilespmem:s6+$0xFFFFFF90]  }
0x257: {  	v15 =	vld [tilespmem:s6+$0xFFFFFFA0]  }
0x258: {  	v16 =	vld [tilespmem:s6+$0xFFFFFFB0]  }
0x259: {  	v17 =	vld [tilespmem:s6+$0xFFFFFFC0]  }
0x25a: {  	v13 =	vld [tilespmem:s6+$0xFFFFFFD0]  }
0x25b: {  	v12 =	vld [tilespmem:s6+$0xFFFFFFE0]  }
0x25c: {  	s19 =	simm.s32 $0x2080;
	v11 =	vld [tilespmem:s6+$0xFFFFFFF0]  }
0x25d: {  	s20 =	simm.s32 $0x4080;
	v18 =	vld [tilespmem:s19+$0x70]  }
0x25e: {  	v19 =	vld [tilespmem:s20+$0x70]  }
0x25f: {  	v10 =	vld [tilespmem:s6+$0x0]  }
0x260: {  	v9 =	vld [tilespmem:s6+$0x10]  }
0x261: {  	v8 =	vld [tilespmem:s6+$0x20]  }
0x262: {  	v7 =	vld [tilespmem:s6+$0x30]  }
0x263: {  	v6 =	vld [tilespmem:s6+$0x40]  }
0x264: {  	v63 =	vld [tilespmem:s6+$0xFFFFFF80]  }
0x265: {  	v56 =	vld [tilespmem:s19+$0xFFFFFF80]  }
0x266: {  	v57 =	vld [tilespmem:s20+$0xFFFFFF80]  }
0x267: {  	v21 =	vld [tilespmem:s19+$0xFFFFFF90]  }
0x268: {  	v22 =	vld [tilespmem:s20+$0xFFFFFF90]  }
0x269: {  	v23 =	vld [tilespmem:s19+$0xFFFFFFA0]  }
0x26a: {  	v24 =	vld [tilespmem:s20+$0xFFFFFFA0]  }
0x26b: {  	v25 =	vld [tilespmem:s19+$0xFFFFFFB0]  }
0x26c: {  	v26 =	vld [tilespmem:s20+$0xFFFFFFB0]  }
0x26d: {  	v27 =	vld [tilespmem:s19+$0xFFFFFFC0]  }
0x26e: {  	v28 =	vld [tilespmem:s20+$0xFFFFFFC0]  }
0x26f: {  	v29 =	vld [tilespmem:s19+$0xFFFFFFD0]  }
0x270: {  	v30 =	vld [tilespmem:s20+$0xFFFFFFD0]  }
0x271: {  	v31 =	vld [tilespmem:s19+$0xFFFFFFE0]  }
0x272: {  	v32 =	vld [tilespmem:s20+$0xFFFFFFE0]  }
0x273: {  	v33 =	vld [tilespmem:s19+$0xFFFFFFF0]  }
0x274: {  	v34 =	vld [tilespmem:s20+$0xFFFFFFF0]  }
0x275: {  	v36 =	vld [tilespmem:s19+$0x0]  }
0x276: {  	v37 =	vld [tilespmem:s20+$0x0];
	v4 =	vmul.f32 $1.500000000e+01, v5;
	v35 =	vmul.f32 $1.500000000e+01, v63  }
0x277: {  	v38 =	vld [tilespmem:s19+$0x10];
	v39 =	vmul.f32 $1.500000000e+01, v14;
	v41 =	vmul.f32 $1.500000000e+01, v15  }
0x278: {  	v40 =	vld [tilespmem:s20+$0x10];
	v42 =	vmul.f32 $1.500000000e+01, v16;
	v44 =	vmul.f32 $1.500000000e+01, v17  }
0x279: {  	v43 =	vld [tilespmem:s19+$0x20];
	v47 =	vmul.f32 $1.500000000e+01, v13;
	v49 =	vmul.f32 $1.500000000e+01, v12  }
0x27a: {  	v45 =	vld [tilespmem:s20+$0x20];
	vm0 =	veq.s32 v18, v19;
	v62 =	vmul.f32 $1.500000000e+01, v10;
	v4 =	vtrunc.f32 v4  }
0x27b: {  	v46 =	vld [tilespmem:s19+$0x30];
	vm13 =	veq.s32 v56, v57;
	v35 =	vtrunc.f32 v35;
	v39 =	vtrunc.f32 v39  }
0x27c: {  	v48 =	vld [tilespmem:s20+$0x30];
	vm14 =	veq.s32 v21, v22;
	v42 =	vtrunc.f32 v42;
	v4 =	vcvt.f32.s32 v4  }
0x27d: {  	v50 =	vld [tilespmem:s19+$0x40];
	vm15 =	veq.s32 v23, v24;
	v44 =	vtrunc.f32 v44;
	v35 =	vcvt.f32.s32 v35  }
0x27e: {  	v52 =	vld [tilespmem:s19+$0x50];
	v60 =	vtrunc.f32 v49;
	v39 =	vcvt.f32.s32 v39;
	v4 =	vshll.u32 v4, $0x4  }
0x27f: {  	v19 =	vld [tilespmem:s20+$0x40];
	v42 =	vcvt.f32.s32 v42;
	v35 =	vshll.u32 v35, $0x4;
	v20 =	vor.u32 v3, v4  }
0x280: {  	v23 =	vld [tilespmem:s19+$0x60];
	v44 =	vcvt.f32.s32 v44;
	v39 =	vshll.u32 v39, $0x4;
	v35 =	vor.u32 v3, v35  }
0x281: {  	v49 =	vld [tilespmem:s20+$0x50];
	v21 =	vcvt.f32.s32 v60;
	v42 =	vshll.u32 v42, $0x4;
	v39 =	vor.u32 v3, v39  }
0x282: {  	vm4 =	veq.s32 v25, v26;
	v56 =	vshll.u32 v44, $0x4;
	v44 =	vld [tilespmem:s20+$0x60];
	v42 =	vor.u32 v3, v42  }
0x283: {  	v18 =	vsel vm0, $0x10001, v2;
	v21 =	vshll.u32 v21, $0x4;
	v4 =	vld [tilespmem:s6+$0x50];
	v24 =	vor.u32 v3, v56  }
0x284: {  	v59 =	vsel vm13, $0x10001, v2;
	v41 =	vtrunc.f32 v41;
	v21 =	vor.u32 v3, v21;
	[tilespmem:v20+s26+$0x0] =	vst.idx.add.s32.msk $0xffff, v18  }
0x285: {  	vm5 =	veq.s32 v27, v28;
	v54 =	vsel vm14, $0x10001, v2;
	v41 =	vcvt.f32.s32 v41;
	[tilespmem:v35+s26+$0x0] =	vst.idx.add.s32.msk $0xffff, v59  }
0x286: {  	vm7 =	veq.s32 v31, v32;
	v26 =	vsel vm4, $0x10001, v2;
	v58 =	vtrunc.f32 v47;
	[tilespmem:v39+s26+$0x0] =	vst.idx.add.s32.msk $0xffff, v54  }
0x287: {  	v47 =	vtrunc.f32 v62;
	v62 =	vsel vm5, $0x10001, v2;
	v41 =	vshll.u32 v41, $0x4;
	[tilespmem:v42+s26+$0x0] =	vst.idx.add.s32.msk $0xffff, v26  }
0x288: {  	v31 =	vsel vm7, $0x10001, v2;
	v53 =	vor.u32 v3, v41;
	[tilespmem:v24+s26+$0x0] =	vst.idx.add.s32.msk $0xffff, v62  }
0x289: {  	v51 =	vmul.f32 $1.500000000e+01, v11;
	[tilespmem:v21+s26+$0x0] =	vst.idx.add.s32.msk $0xffff, v31  }
0x28a: {  	[tilespmem:v20+s28+$0x0] =	vst.idx.add.f32.msk $0xffff, v5  }
0x28b: {  	v61 =	vtrunc.f32 v51;
	[tilespmem:v35+s28+$0x0] =	vst.idx.add.f32.msk $0xffff, v63;
	v20 =	vcvt.f32.s32 v58  }
0x28c: {  	v57 =	vmul.f32 $1.500000000e+01, v7;
	v60 =	vcvt.f32.s32 v61;
	[tilespmem:v39+s28+$0x0] =	vst.idx.add.f32.msk $0xffff, v14;
	v58 =	vsel vm15, $0x10001, v2  }
0x28d: {  	v63 =	vmul.f32 $1.500000000e+01, v9;
	[tilespmem:v53+s26+$0x0] =	vst.idx.add.s32.msk $0xffff, v58;
	v20 =	vshll.u32 v20, $0x4  }
0x28e: {  	v14 =	vtrunc.f32 v57;
	[tilespmem:v53+s28+$0x0] =	vst.idx.add.f32.msk $0xffff, v15;
	v15 =	vshll.u32 v60, $0x4;
	v20 =	vor.u32 v3, v20  }
0x28f: {  	v55 =	vmul.f32 $1.500000000e+01, v8;
	v5 =	vld [tilespmem:s6+$0x60];
	v41 =	vcvt.f32.s32 v14;
	v15 =	vor.u32 v3, v15  }
0x290: {  	vm6 =	veq.s32 v29, v30;
	[tilespmem:v42+s28+$0x0] =	vst.idx.add.f32.msk $0xffff, v16;
	v18 =	vtrunc.f32 v63;
	v63 =	vcvt.f32.s32 v47  }
0x291: {  	vm8 =	veq.s32 v33, v34;
	vm9 =	veq.s32 v36, v37;
	[tilespmem:v21+s28+$0x0] =	vst.idx.add.f32.msk $0xffff, v12;
	v12 =	vshll.u32 v41, $0x4  }
0x292: {  	v28 =	vsel vm6, $0x10001, v2;
	[tilespmem:v24+s28+$0x0] =	vst.idx.add.f32.msk $0xffff, v17;
	v16 =	vshll.u32 v63, $0x4;
	v12 =	vor.u32 v3, v12  }
0x293: {  	v39 =	vsel vm8, $0x10001, v2;
	v29 =	vcvt.f32.s32 v18;
	v16 =	vor.u32 v3, v16;
	[tilespmem:v20+s26+$0x0] =	vst.idx.add.s32.msk $0xffff, v28  }
0x294: {  	vm12 =	veq.s32 v46, v48;
	v61 =	vmul.f32 $1.500000000e+01, v6;
	v59 =	vtrunc.f32 v55;
	[tilespmem:v15+s26+$0x0] =	vst.idx.add.s32.msk $0xffff, v39  }
0x295: {  	v30 =	vmul.f32 $1.500000000e+01, v4;
	v32 =	vcvt.f32.s32 v59;
	v17 =	vshll.u32 v29, $0x4;
	[tilespmem:v20+s28+$0x0] =	vst.idx.add.f32.msk $0xffff, v13  }
0x296: {  	v35 =	vtrunc.f32 v61;
	v59 =	vsel vm12, $0x10001, v2;
	v17 =	vor.u32 v3, v17;
	[tilespmem:v15+s28+$0x0] =	vst.idx.add.f32.msk $0xffff, v11  }
0x297: {  	v51 =	vcvt.f32.s32 v35;
	v47 =	vsel vm9, $0x10001, v2;
	v13 =	vshll.u32 v32, $0x4;
	[tilespmem:v12+s26+$0x0] =	vst.idx.add.s32.msk $0xffff, v59  }
0x298: {  	v42 =	vtrunc.f32 v30;
	v53 =	vmul.f32 $1.500000000e+01, v5;
	v13 =	vor.u32 v3, v13;
	[tilespmem:v16+s26+$0x0] =	vst.idx.add.s32.msk $0xffff, v47  }
0x299: {  	vm10 =	veq.s32 v38, v40;
	v55 =	vcvt.f32.s32 v42;
	v11 =	vshll.u32 v51, $0x4;
	[tilespmem:v12+s28+$0x0] =	vst.idx.add.f32.msk $0xffff, v7  }
0x29a: {  	v54 =	vsel vm10, $0x10001, v2;
	v56 =	vtrunc.f32 v53;
	v11 =	vor.u32 v3, v11;
	[tilespmem:v16+s28+$0x0] =	vst.idx.add.f32.msk $0xffff, v10  }
0x29b: {  	vm11 =	veq.s32 v43, v45;
	v58 =	vcvt.f32.s32 v56;
	[tilespmem:v17+s26+$0x0] =	vst.idx.add.s32.msk $0xffff, v54;
	v10 =	vshll.u32 v55, $0x4  }
0x29c: {  	v57 =	vsel vm11, $0x10001, v2;
	[tilespmem:v17+s28+$0x0] =	vst.idx.add.f32.msk $0xffff, v9;
	v10 =	vor.u32 v3, v10  }
0x29d: {  	vm13 =	veq.s32 v50, v19;
	v60 =	vshll.u32 v58, $0x4;
	[tilespmem:v13+s26+$0x0] =	vst.idx.add.s32.msk $0xffff, v57  }
0x29e: {  	v61 =	vsel vm13, $0x10001, v2;
	[tilespmem:v13+s28+$0x0] =	vst.idx.add.f32.msk $0xffff, v8;
	v8 =	vor.u32 v3, v60  }
0x29f: {  	vm14 =	veq.s32 v52, v49;
	[tilespmem:v11+s26+$0x0] =	vst.idx.add.s32.msk $0xffff, v61  }
0x2a0: {  	v62 =	vsel vm14, $0x10001, v2;
	[tilespmem:v11+s28+$0x0] =	vst.idx.add.f32.msk $0xffff, v6  }
0x2a1: {  	vm15 =	veq.s32 v23, v44;
	[tilespmem:v10+s26+$0x0] =	vst.idx.add.s32.msk $0xffff, v62  }
0x2a2: {  	v63 =	vsel vm15, $0x10001, v2;
	[tilespmem:v10+s28+$0x0] =	vst.idx.add.f32.msk $0xffff, v4  }
0x2a3: {  	[tilespmem:v8+s26+$0x0] =	vst.idx.add.s32.msk $0xffff, v63  }
0x2a4: {  	s7 =	simm.s32 $0x180;
	s6 =	simm.s32 $0x0;
	[tilespmem:v8+s28+$0x0] =	vst.idx.add.f32.msk $0xffff, v5  }
.LBB2_10:
0x2a5: {  	v17 =	vld [tilespmem:s7+$0x70]  }
0x2a6: {  	s6 =	sadd.s32 $0x100, s6;
	v10 =	vld [tilespmem:s7+$0xFFFFFF90]  }
0x2a7: {  	p0 =	slt.u32 s6, $0x1F00;
	v9 =	vld [tilespmem:s7+$0xFFFFFFA0]  }
0x2a8: {  	v8 =	vld [tilespmem:s7+$0xFFFFFFB0]  }
0x2a9: {  	v7 =	vld [tilespmem:s7+$0xFFFFFFC0]  }
0x2aa: {  	v5 =	vld [tilespmem:s7+$0xFFFFFFD0];
	v11 =	vmul.f32 $1.500000000e+01, v17  }
0x2ab: {  	v12 =	vmul.f32 $1.500000000e+01, v10;
	v6 =	vld [tilespmem:s7+$0xFFFFFFE0]  }
0x2ac: {  	s19 =	sadd.s32 $0x100, s19;
	v13 =	vmul.f32 $1.500000000e+01, v9;
	v4 =	vld [tilespmem:s7+$0xFFFFFFF0];
	v11 =	vtrunc.f32 v11  }
0x2ad: {  	s20 =	sadd.s32 $0x100, s20;
	v14 =	vmul.f32 $1.500000000e+01, v8;
	v16 =	vld [tilespmem:s19+$0x70];
	v15 =	vcvt.f32.s32 v11  }
0x2ae: {  	v18 =	vtrunc.f32 v12;
	v19 =	vmul.f32 $1.500000000e+01, v7;
	v20 =	vld [tilespmem:s20+$0x70]  }
0x2af: {  	v21 =	vtrunc.f32 v13;
	v22 =	vmul.f32 $1.500000000e+01, v5;
	v11 =	vld [tilespmem:s7+$0x0];
	v13 =	vshll.u32 v15, $0x4  }
0x2b0: {  	v23 =	vtrunc.f32 v14;
	v14 =	vmul.f32 $1.500000000e+01, v6;
	v12 =	vld [tilespmem:s7+$0x10];
	v24 =	vor.u32 v3, v13  }
0x2b1: {  	v25 =	vtrunc.f32 v19;
	v15 =	vmul.f32 $1.500000000e+01, v4;
	v13 =	vld [tilespmem:s7+$0x20]  }
0x2b2: {  	v22 =	vtrunc.f32 v22;
	v26 =	vtrunc.f32 v14;
	v14 =	vld [tilespmem:s7+$0x30]  }
0x2b3: {  	v18 =	vcvt.f32.s32 v18;
	v27 =	vtrunc.f32 v15;
	v15 =	vld [tilespmem:s7+$0x40];
	vm0 =	veq.s32 v16, v20  }
0x2b4: {  	v19 =	vcvt.f32.s32 v21;
	v20 =	vmul.f32 $1.500000000e+01, v11;
	v16 =	vld [tilespmem:s7+$0x50];
	v21 =	vsel vm0, $0x10001, v2  }
0x2b5: {  	v18 =	vshll.u32 v18, $0x4;
	v23 =	vcvt.f32.s32 v23;
	v28 =	vmul.f32 $1.500000000e+01, v12;
	[tilespmem:v24+s26+$0x0] =	vst.idx.add.s32.msk $0xffff, v21  }
0x2b6: {  	v19 =	vshll.u32 v19, $0x4;
	v29 =	vtrunc.f32 v20;
	v30 =	vmul.f32 $1.500000000e+01, v13;
	[tilespmem:v24+s28+$0x0] =	vst.idx.add.f32.msk $0xffff, v17  }
0x2b7: {  	v23 =	vshll.u32 v23, $0x4;
	v24 =	vtrunc.f32 v28;
	v28 =	vmul.f32 $1.500000000e+01, v14;
	v17 =	vld [tilespmem:s7+$0x60]  }
0x2b8: {  	v20 =	vor.u32 v3, v18;
	v21 =	vld [tilespmem:s7+$0xFFFFFF80];
	v30 =	vtrunc.f32 v30;
	v31 =	vmul.f32 $1.500000000e+01, v15  }
0x2b9: {  	v18 =	vor.u32 v3, v19;
	v32 =	vld [tilespmem:s19+$0xFFFFFF80];
	v28 =	vtrunc.f32 v28;
	v33 =	vmul.f32 $1.500000000e+01, v16  }
0x2ba: {  	v19 =	vor.u32 v3, v23;
	v23 =	vcvt.f32.s32 v25;
	v34 =	vld [tilespmem:s20+$0xFFFFFF80];
	v25 =	vtrunc.f32 v31  }
0x2bb: {  	v22 =	vcvt.f32.s32 v22;
	v31 =	vld [tilespmem:s19+$0xFFFFFF90];
	v33 =	vtrunc.f32 v33  }
0x2bc: {  	v26 =	vcvt.f32.s32 v26;
	v23 =	vshll.u32 v23, $0x4;
	v35 =	vld [tilespmem:s20+$0xFFFFFF90];
	v36 =	vmul.f32 $1.500000000e+01, v17  }
0x2bd: {  	v22 =	vshll.u32 v22, $0x4;
	v27 =	vcvt.f32.s32 v27;
	v37 =	vmul.f32 $1.500000000e+01, v21;
	v38 =	vld [tilespmem:s19+$0xFFFFFFA0]  }
0x2be: {  	v26 =	vshll.u32 v26, $0x4;
	v29 =	vcvt.f32.s32 v29;
	v39 =	vld [tilespmem:s20+$0xFFFFFFA0];
	v36 =	vtrunc.f32 v36  }
0x2bf: {  	v27 =	vshll.u32 v27, $0x4;
	v24 =	vcvt.f32.s32 v24;
	v37 =	vtrunc.f32 v37;
	v40 =	vld [tilespmem:s19+$0xFFFFFFB0]  }
0x2c0: {  	v29 =	vshll.u32 v29, $0x4;
	v30 =	vcvt.f32.s32 v30;
	v37 =	vcvt.f32.s32 v37;
	v41 =	vld [tilespmem:s20+$0xFFFFFFB0]  }
0x2c1: {  	v24 =	vshll.u32 v24, $0x4;
	v28 =	vcvt.f32.s32 v28;
	v25 =	vcvt.f32.s32 v25;
	v42 =	vld [tilespmem:s19+$0xFFFFFFC0]  }
0x2c2: {  	v33 =	vcvt.f32.s32 v33;
	v36 =	vcvt.f32.s32 v36;
	v37 =	vshll.u32 v37, $0x4;
	v43 =	vld [tilespmem:s20+$0xFFFFFFC0]  }
0x2c3: {  	v30 =	vshll.u32 v30, $0x4;
	v28 =	vshll.u32 v28, $0x4;
	v25 =	vshll.u32 v25, $0x4;
	v44 =	vld [tilespmem:s19+$0xFFFFFFD0]  }
0x2c4: {  	v33 =	vshll.u32 v33, $0x4;
	vm1 =	veq.s32 v32, v34;
	v34 =	vshll.u32 v36, $0x4;
	v32 =	vld [tilespmem:s20+$0xFFFFFFD0]  }
0x2c5: {  	vm2 =	veq.s32 v31, v35;
	vm3 =	veq.s32 v38, v39;
	vm0 =	veq.s32 v40, v41;
	v31 =	vld [tilespmem:s19+$0xFFFFFFE0]  }
0x2c6: {  	v22 =	vor.u32 v3, v22;
	v23 =	vor.u32 v3, v23;
	v35 =	vor.u32 v3, v37;
	v36 =	vld [tilespmem:s20+$0xFFFFFFE0]  }
0x2c7: {  	v26 =	vor.u32 v3, v26;
	v27 =	vor.u32 v3, v27;
	vm4 =	veq.s32 v42, v43;
	v37 =	vld [tilespmem:s19+$0xFFFFFFF0]  }
0x2c8: {  	v29 =	vor.u32 v3, v29;
	v24 =	vor.u32 v3, v24;
	v30 =	vor.u32 v3, v30;
	v38 =	vld [tilespmem:s20+$0xFFFFFFF0]  }
0x2c9: {  	v28 =	vor.u32 v3, v28;
	v25 =	vor.u32 v3, v25;
	vm5 =	veq.s32 v44, v32;
	v32 =	vld [tilespmem:s19+$0x0]  }
0x2ca: {  	v33 =	vor.u32 v3, v33;
	v34 =	vor.u32 v3, v34;
	v39 =	vsel vm1, $0x10001, v2;
	v40 =	vld [tilespmem:s20+$0x0]  }
0x2cb: {  	v41 =	vsel vm2, $0x10001, v2;
	v42 =	vsel vm3, $0x10001, v2;
	vm1 =	veq.s32 v31, v36;
	v31 =	vld [tilespmem:s19+$0x10]  }
0x2cc: {  	v43 =	vsel vm4, $0x10001, v2;
	v44 =	vsel vm5, $0x10001, v2;
	v36 =	vsel vm0, $0x10001, v2;
	v45 =	vld [tilespmem:s20+$0x10]  }
0x2cd: {  	v46 =	vsel vm1, $0x10001, v2;
	vm0 =	veq.s32 v37, v38;
	v37 =	vld [tilespmem:s19+$0x20]  }
0x2ce: {  	v38 =	vsel vm0, $0x10001, v2;
	v47 =	vld [tilespmem:s20+$0x20]  }
0x2cf: {  	vm0 =	veq.s32 v32, v40;
	v32 =	vld [tilespmem:s19+$0x30]  }
0x2d0: {  	v40 =	vsel vm0, $0x10001, v2;
	v48 =	vld [tilespmem:s20+$0x30]  }
0x2d1: {  	vm0 =	veq.s32 v31, v45;
	v31 =	vld [tilespmem:s19+$0x40]  }
0x2d2: {  	v45 =	vsel vm0, $0x10001, v2;
	v49 =	vld [tilespmem:s20+$0x40]  }
0x2d3: {  	vm0 =	veq.s32 v37, v47;
	v37 =	vld [tilespmem:s19+$0x50]  }
0x2d4: {  	v47 =	vsel vm0, $0x10001, v2;
	v50 =	vld [tilespmem:s20+$0x50]  }
0x2d5: {  	vm0 =	veq.s32 v32, v48;
	v32 =	vld [tilespmem:s19+$0x60]  }
0x2d6: {  	v48 =	vsel vm0, $0x10001, v2;
	v51 =	vld [tilespmem:s20+$0x60]  }
0x2d7: {  	[tilespmem:v35+s26+$0x0] =	vst.idx.add.s32.msk $0xffff, v39;
	vm0 =	veq.s32 v31, v49  }
0x2d8: {  	[tilespmem:v35+s28+$0x0] =	vst.idx.add.f32.msk $0xffff, v21;
	v21 =	vsel vm0, $0x10001, v2  }
0x2d9: {  	[tilespmem:v20+s26+$0x0] =	vst.idx.add.s32.msk $0xffff, v41;
	vm0 =	veq.s32 v37, v50  }
0x2da: {  	[tilespmem:v20+s28+$0x0] =	vst.idx.add.f32.msk $0xffff, v10;
	v10 =	vsel vm0, $0x10001, v2  }
0x2db: {  	[tilespmem:v18+s26+$0x0] =	vst.idx.add.s32.msk $0xffff, v42;
	vm0 =	veq.s32 v32, v51  }
0x2dc: {  	[tilespmem:v18+s28+$0x0] =	vst.idx.add.f32.msk $0xffff, v9;
	v9 =	vsel vm0, $0x10001, v2  }
0x2dd: {  	[tilespmem:v19+s26+$0x0] =	vst.idx.add.s32.msk $0xffff, v36  }
0x2de: {  	[tilespmem:v19+s28+$0x0] =	vst.idx.add.f32.msk $0xffff, v8  }
0x2df: {  	[tilespmem:v23+s26+$0x0] =	vst.idx.add.s32.msk $0xffff, v43  }
0x2e0: {  	[tilespmem:v23+s28+$0x0] =	vst.idx.add.f32.msk $0xffff, v7  }
0x2e1: {  	[tilespmem:v22+s26+$0x0] =	vst.idx.add.s32.msk $0xffff, v44  }
0x2e2: {  	[tilespmem:v22+s28+$0x0] =	vst.idx.add.f32.msk $0xffff, v5  }
0x2e3: {  	[tilespmem:v26+s26+$0x0] =	vst.idx.add.s32.msk $0xffff, v46  }
0x2e4: {  	[tilespmem:v26+s28+$0x0] =	vst.idx.add.f32.msk $0xffff, v6  }
0x2e5: {  	[tilespmem:v27+s26+$0x0] =	vst.idx.add.s32.msk $0xffff, v38  }
0x2e6: {  	[tilespmem:v27+s28+$0x0] =	vst.idx.add.f32.msk $0xffff, v4  }
0x2e7: {  	[tilespmem:v29+s26+$0x0] =	vst.idx.add.s32.msk $0xffff, v40  }
0x2e8: {  	[tilespmem:v29+s28+$0x0] =	vst.idx.add.f32.msk $0xffff, v11  }
0x2e9: {  	[tilespmem:v24+s26+$0x0] =	vst.idx.add.s32.msk $0xffff, v45  }
0x2ea: {  	[tilespmem:v24+s28+$0x0] =	vst.idx.add.f32.msk $0xffff, v12  }
0x2eb: {  	[tilespmem:v30+s26+$0x0] =	vst.idx.add.s32.msk $0xffff, v47  }
0x2ec: {  	[tilespmem:v30+s28+$0x0] =	vst.idx.add.f32.msk $0xffff, v13  }
0x2ed: {  	[tilespmem:v28+s26+$0x0] =	vst.idx.add.s32.msk $0xffff, v48  }
0x2ee: {  	[tilespmem:v28+s28+$0x0] =	vst.idx.add.f32.msk $0xffff, v14  }
0x2ef: {  	[tilespmem:v25+s26+$0x0] =	vst.idx.add.s32.msk $0xffff, v21  }
.Ltmp4:
0x2f0: {  	[tilespmem:v25+s28+$0x0] =	vst.idx.add.f32.msk $0xffff, v15;
	(pc) =	sbr.rel @p0 .LBB2_10-.Ltmp4, $4  }
0x2f1: {  	[tilespmem:v33+s26+$0x0] =	vst.idx.add.s32.msk $0xffff, v10  }
0x2f2: {  	[tilespmem:v33+s28+$0x0] =	vst.idx.add.f32.msk $0xffff, v16  }
0x2f3: {  	[tilespmem:v34+s26+$0x0] =	vst.idx.add.s32.msk $0xffff, v9  }
0x2f4: {  	s7 =	sadd.s32 $0x100, s7;
	[tilespmem:v34+s28+$0x0] =	vst.idx.add.f32.msk $0xffff, v17  }
0x2f5: {  	v4 =	vmul.u32 $0x10, v3;
	_ =	sdelay $0x2  }
0x2f6: {  	v5 =	vor.u32 $0x1, v4;
	_ =	sdelay $0x1  }
0x2f7: {  	v6 =	vor.u32 $0x2, v4  }
0x2f8: {  	v7 =	vld.idx.msk [tilespmem:v4+s26+$0x0], $0xffff  }
0x2f9: {  	v9 =	vor.u32 $0x3, v4;
	v8 =	vld.idx.msk [tilespmem:v4+s28+$0x0], $0xffff  }
0x2fa: {  	v10 =	vld.idx.msk [tilespmem:v5+s26+$0x0], $0xffff  }
0x2fb: {  	v11 =	vor.u32 $0x4, v4;
	v5 =	vld.idx.msk [tilespmem:v5+s28+$0x0], $0xffff  }
0x2fc: {  	v12 =	vld.idx.msk [tilespmem:v6+s26+$0x0], $0xffff  }
0x2fd: {  	v13 =	vor.u32 $0x5, v4;
	v6 =	vld.idx.msk [tilespmem:v6+s28+$0x0], $0xffff  }
0x2fe: {  	v15 =	vld.idx.msk [tilespmem:v9+s26+$0x0], $0xffff  }
0x2ff: {  	v17 =	vor.u32 $0x6, v4;
	v9 =	vld.idx.msk [tilespmem:v9+s28+$0x0], $0xffff  }
0x300: {  	v56 =	vld.idx.msk [tilespmem:v11+s26+$0x0], $0xffff  }
0x301: {  	v18 =	vor.u32 $0x7, v4;
	v11 =	vld.idx.msk [tilespmem:v11+s28+$0x0], $0xffff  }
0x302: {  	v59 =	vld.idx.msk [tilespmem:v13+s26+$0x0], $0xffff  }
0x303: {  	v61 =	vor.u32 $0x8, v4;
	v13 =	vld.idx.msk [tilespmem:v13+s28+$0x0], $0xffff  }
0x304: {  	v23 =	vor.u32 $0x9, v4;
	v63 =	vld.idx.msk [tilespmem:v17+s26+$0x0], $0xffff;
	v8 =	vadd.f32 $0.0e+00, v8  }
0x305: {  	v28 =	vor.u32 $0xA, v4;
	v22 =	vld.idx.msk [tilespmem:v17+s28+$0x0], $0xffff  }
0x306: {  	v33 =	vor.u32 $0xB, v4;
	v25 =	vld.idx.msk [tilespmem:v18+s26+$0x0], $0xffff;
	v5 =	vadd.f32 v5, v8  }
0x307: {  	v38 =	vor.u32 $0xC, v4;
	v27 =	vld.idx.msk [tilespmem:v18+s28+$0x0], $0xffff  }
0x308: {  	v43 =	vor.u32 $0xD, v4;
	v48 =	vor.u32 $0xE, v4;
	v30 =	vld.idx.msk [tilespmem:v61+s26+$0x0], $0xffff;
	v5 =	vadd.f32 v6, v5  }
0x309: {  	v4 =	vor.u32 $0xF, v4;
	v35 =	vld.idx.msk [tilespmem:v23+s26+$0x0], $0xffff;
	v14 =	vand.u32 $0xFFFF, v7;
	v7 =	vshrl.u32 v7, $0x10  }
0x30a: {  	v40 =	vld.idx.msk [tilespmem:v28+s26+$0x0], $0xffff;
	v16 =	vand.u32 $0xFFFF, v10;
	v10 =	vshrl.u32 v10, $0x10;
	v5 =	vadd.f32 v9, v5  }
0x30b: {  	v45 =	vld.idx.msk [tilespmem:v33+s26+$0x0], $0xffff;
	v57 =	vand.u32 $0xFFFF, v12;
	v58 =	vshrl.u32 v12, $0x10;
	v60 =	vand.u32 $0xFFFF, v15  }
0x30c: {  	v49 =	vld.idx.msk [tilespmem:v38+s26+$0x0], $0xffff;
	v62 =	vshrl.u32 v15, $0x10;
	v21 =	vand.u32 $0xFFFF, v56;
	v5 =	vadd.f32 v11, v5  }
0x30d: {  	v52 =	vld.idx.msk [tilespmem:v43+s26+$0x0], $0xffff;
	v24 =	vshrl.u32 v56, $0x10;
	v26 =	vand.u32 $0xFFFF, v59;
	v29 =	vshrl.u32 v59, $0x10  }
0x30e: {  	v55 =	vld.idx.msk [tilespmem:v48+s26+$0x0], $0xffff;
	v31 =	vand.u32 $0xFFFF, v63;
	v34 =	vshrl.u32 v63, $0x10;
	v5 =	vadd.f32 v13, v5  }
0x30f: {  	v32 =	vld.idx.msk [tilespmem:v61+s28+$0x0], $0xffff;
	v36 =	vand.u32 $0xFFFF, v25;
	v39 =	vshrl.u32 v25, $0x10;
	v41 =	vand.u32 $0xFFFF, v30  }
0x310: {  	v44 =	vshrl.u32 v30, $0x10;
	v46 =	vand.u32 $0xFFFF, v35;
	v5 =	vadd.f32 v22, v5  }
0x311: {  	v37 =	vld.idx.msk [tilespmem:v23+s28+$0x0], $0xffff;
	v50 =	vand.u32 $0xFFFF, v40;
	v53 =	vand.u32 $0xFFFF, v45;
	v56 =	vand.u32 $0xFFFF, v49  }
0x312: {  	v59 =	vand.u32 $0xFFFF, v52;
	v14 =	vadd.s32 v14, v16;
	v5 =	vadd.f32 v27, v5  }
0x313: {  	v42 =	vld.idx.msk [tilespmem:v28+s28+$0x0], $0xffff;
	v61 =	vand.u32 $0xFFFF, v55;
	v7 =	vadd.s32 v7, v10;
	v8 =	vadd.s32 v57, v14  }
0x314: {  	v7 =	vadd.s32 v58, v7;
	v6 =	vadd.s32 v60, v8;
	v5 =	vadd.f32 v32, v5  }
0x315: {  	v47 =	vld.idx.msk [tilespmem:v33+s28+$0x0], $0xffff;
	v10 =	vshrl.u32 v35, $0x10;
	v7 =	vadd.s32 v62, v7;
	v6 =	vadd.s32 v21, v6  }
0x316: {  	v8 =	vshrl.u32 v49, $0x10;
	v6 =	vadd.s32 v26, v6;
	v5 =	vadd.f32 v37, v5  }
0x317: {  	v51 =	vld.idx.msk [tilespmem:v38+s28+$0x0], $0xffff;
	v60 =	vshrl.u32 v52, $0x10;
	v7 =	vadd.s32 v24, v7;
	v6 =	vadd.s32 v31, v6  }
0x318: {  	v57 =	vld.idx.msk [tilespmem:v4+s26+$0x0], $0xffff;
	v7 =	vadd.s32 v29, v7;
	v6 =	vadd.s32 v36, v6;
	v5 =	vadd.f32 v42, v5  }
0x319: {  	v54 =	vld.idx.msk [tilespmem:v43+s28+$0x0], $0xffff;
	v9 =	vshrl.u32 v40, $0x10;
	v7 =	vadd.s32 v34, v7;
	v6 =	vadd.s32 v41, v6  }
0x31a: {  	v7 =	vadd.s32 v39, v7;
	v6 =	vadd.s32 v46, v6;
	v5 =	vadd.f32 v47, v5  }
0x31b: {  	v58 =	vld.idx.msk [tilespmem:v48+s28+$0x0], $0xffff;
	v11 =	vshrl.u32 v45, $0x10;
	v7 =	vadd.s32 v44, v7;
	v6 =	vadd.s32 v50, v6  }
0x31c: {  	v7 =	vadd.s32 v10, v7;
	v6 =	vadd.s32 v53, v6;
	v5 =	vadd.f32 v51, v5  }
0x31d: {  	v4 =	vld.idx.msk [tilespmem:v4+s28+$0x0], $0xffff;
	v62 =	vand.u32 $0xFFFF, v57;
	v7 =	vadd.s32 v9, v7;
	v6 =	vadd.s32 v56, v6  }
0x31e: {  	v7 =	vadd.s32 v11, v7;
	v6 =	vadd.s32 v59, v6;
	v5 =	vadd.f32 v54, v5  }
0x31f: {  	v9 =	vshrl.u32 v55, $0x10;
	v7 =	vadd.s32 v8, v7;
	v6 =	vadd.s32 v61, v6  }
0x320: {  	v7 =	vadd.s32 v60, v7;
	v6 =	vadd.s32 v62, v6;
	v5 =	vadd.f32 v58, v5  }
0x321: {  	v63 =	vshrl.u32 v57, $0x10;
	v7 =	vadd.s32 v9, v7;
	v6 =	vcvt.s32.f32 v6  }
0x322: {  	v7 =	vadd.s32 v63, v7;
	v4 =	vadd.f32 v4, v5  }
0x323: {  	s3 =	sadd.s32 $0x1, s3;
	[tilespmem:$0x12200] =	vst v6;
	v5 =	vcvt.s32.f32 v7  }
0x324: {  	p0 =	sne.s32 s3, s16;
	[tilespmem:$0x12280] =	vst v4  }
.Ltmp5:
0x325: {  	s6 =	simm.s32 $0x12200;
	[tilespmem:$0x12300] =	vst v5;
	(pc) =	sbr.rel @p0 .LBB2_1-.Ltmp5, $4  }
0x326: {  	[hbm4b:s15+s5] =	stream.linear.scatter [tilespmem:s6], [sflag:$0x4], $0x180, $0x38;
	[tilespmem:$0x12400] =	vst v63  }
0x327: {  	_ =	swait.ge [sflag:s0], $0x180  }
0x328: {  	[sflag:s0] =	ssyncset.done $0x0  }
0x329: {  	[sflag:s0] =	ssyncadd.s32 $0xFFFFFE80  }
0x32a: {  	_ =	sfence.sel $0x180000  }
0x32b: {  	[bflag:$0x0] =	sbarrier.arrive $0xFFFF  }
0x32c: {  	_ =	strace $0x90000047  }
0x32d: {  	s0 =	stileid.u32;
	[bflag:$0x2] =	sbarrier.arrive $0xFFFF  }
0x32e: {  	p0 =	sne.s32 s0, $0x0;
	s0 =	rddreg [dreg:$0x4]  }
0x32f: {  	s0 =	sadd.s32 @!p0 $0x100000, s0  }
0x330: {  	[sflag:s0] =	ssyncadd.tile.s32 @!p0 $0x1;
	_ =	shalt  }
.Lfunc_end2:
_tile_overlayer_lowered:
.L_overlay_start_2:
0x331: {  	(tag) =	ssettag $0x2  }
0x332: {  	s0 =	rddreg [dreg:$0x0];
	s2 =	stileid.u32  }
0x333: {  	s1 =	rddreg [dreg:$0x1];
	p0 =	sne.s32 s2, $0x0  }
0x334: {  	s3 =	rddreg [dreg:$0x2];
	[bflag:$0x3] =	sbarrier.arrive $0xFFFF;
	s2 =	simm.s32 @!p0 $0x1C04  }
0x335: {  	[timem:s3], [sflag:s2] =	dma.local @!p0 [hbm:s0], s1  }
0x336: {  	s0 =	simm.s32 @!p0 $0x4  }
0x337: {  	_ =	swait.ge @!p0 [sflag:s0], s1  }
0x338: {  	s1 =	ssub.s32 @!p0 $0x0, s1;
	[sflag:s0] =	ssyncset.done @!p0 $0x0  }
0x339: {  	[sflag:s0] =	ssyncadd.s32 @!p0 s1  }
0x33a: {  	[bflag:$0x3] =	sbarrier.arrive $0xFFFF  }
0x33b: {  	_ =	shalt  }

</sc_bundles>
